<compile_context>
chip_gen: v7x
topology: tpu7x:2x2x1
jax: 0.10.2.dev20260603
libtpu: 0.0.44.dev20260713+nightly
codegen_flags: <defaults>
</compile_context>

<pallas_src>
import functools

import jax
import jax.numpy as jnp
from jax import lax
from jax.experimental import pallas as pl
from jax.experimental.pallas import tpu as pltpu
from jax.experimental.pallas import tpu_sc as plsc

_MIN_DIST_THRESH = 0.05
_FAR = 1e18
_CT = 512


def _dist_hit_body(params_ref, cloth_ref, saug_ref, dmin_ref, hit_ref, *,
                   nsp, nc, ct):
    nt = nsp // ct
    c0 = cloth_ref[0, 0:1, :].astype(jnp.bfloat16)
    c1 = cloth_ref[0, 1:2, :].astype(jnp.bfloat16)
    c2 = cloth_ref[0, 2:3, :].astype(jnp.bfloat16)
    ci0 = params_ref[0:1, 2:3]
    ci1 = params_ref[0:1, 3:4]
    mint2 = jnp.bfloat16(_MIN_DIST_THRESH * _MIN_DIST_THRESH)
    sent = jnp.bfloat16(1e8)
    oneb = jnp.bfloat16(1.0)

    def tile_step(t, carry):
        run_min, run_hit = carry
        off = t * ct
        s3 = saug_ref[0, pl.ds(off, ct), 0:3]
        idxf = saug_ref[0, pl.ds(off, ct), 3:4]
        sv = saug_ref[0, pl.ds(off, ct), 4:5]
        s3 = jnp.where(sv > 0.0, s3, jnp.float32(_FAR)).astype(jnp.bfloat16)
        hitc = jnp.logical_or(idxf == ci0, idxf == ci1).astype(jnp.bfloat16)
        d0 = s3[:, 0:1] - c0
        d1 = s3[:, 1:2] - c1
        d2 = s3[:, 2:3] - c2
        dsq = d0 * d0 + d1 * d1 + d2 * d2
        dsq = jnp.where(dsq < mint2, sent, dsq)
        tmin = jnp.min(dsq, axis=0, keepdims=True)
        eq = dsq == tmin
        hitt = jnp.min(jnp.where(eq, hitc, oneb), axis=0, keepdims=True)
        upd = tmin < run_min
        return (jnp.minimum(run_min, tmin), jnp.where(upd, hitt, run_hit))

    init = (jnp.full((1, nc), jnp.finfo(jnp.bfloat16).max, jnp.bfloat16),
            jnp.zeros((1, nc), jnp.bfloat16))
    run_min, run_hit = jax.lax.fori_loop(0, nt, tile_step, init)
    dmin_ref[...] = run_min.astype(jnp.float32)[None]
    hit_ref[...] = run_hit.astype(jnp.float32)[None]


def _sc_loss_reduce(dmin_flat, hit_flat, sdf_flat, params, b, nc):
    nw = 32
    rows = (b * nc) // nw
    groups = rows // 16
    mesh = plsc.VectorSubcoreMesh(core_axis_name="c", subcore_axis_name="s")

    @functools.partial(
        pl.kernel, mesh=mesh,
        out_type=(jax.ShapeDtypeStruct((nw, 16), jnp.float32),
                  jax.ShapeDtypeStruct((nw, 16), jnp.float32)),
        scratch_types=[
            pltpu.VMEM((rows,), jnp.float32),
            pltpu.VMEM((rows,), jnp.float32),
            pltpu.VMEM((rows,), jnp.float32),
            pltpu.VMEM((4, 16), jnp.float32),
            pltpu.VMEM((16,), jnp.float32),
            pltpu.VMEM((16,), jnp.float32),
        ],
    )
    def sc_kernel(dmin_hbm, hit_hbm, sdf_hbm, params_hbm,
                  loss_out, any_out,
                  dmin_v, hit_v, sdf_v, params_v, acc_v, any_v):
        wid = lax.axis_index("s") * 2 + lax.axis_index("c")
        base = wid * rows
        pltpu.sync_copy(dmin_hbm.at[pl.ds(base, rows)], dmin_v)
        pltpu.sync_copy(hit_hbm.at[pl.ds(base, rows)], hit_v)
        pltpu.sync_copy(sdf_hbm.at[pl.ds(base, rows)], sdf_v)
        pltpu.sync_copy(params_hbm, params_v)
        stv = params_v[0]
        dt2v = params_v[1]
        acc = jnp.zeros((16,), jnp.float32)
        anyh = jnp.zeros((16,), jnp.float32)
        zero = jnp.zeros((16,), jnp.float32)
        for g in range(groups):
            dmin2 = dmin_v[pl.ds(g * 16, 16)]
            hitf = hit_v[pl.ds(g * 16, 16)]
            s16 = sdf_v[pl.ds(g * 16, 16)]
            within = dmin2 < dt2v
            term = jnp.abs(s16) * hitf + jnp.abs(s16 - stv) * (1.0 - hitf)
            acc = acc + jnp.where(within, term, zero)
            anyh = jnp.maximum(anyh, hitf)
        acc_v[...] = acc
        any_v[...] = anyh
        pltpu.sync_copy(acc_v, loss_out.at[wid])
        pltpu.sync_copy(any_v, any_out.at[wid])

    return sc_kernel(dmin_flat, hit_flat, sdf_flat, params)


def kernel(sdf, cloth_meshes_unposed, smpl_cloth_idx, smpl_cloth_valid,
           cloth_idx, sdf_thresh, dist_thresh, v_template):
    b, nc = sdf.shape
    ns = v_template.shape[1]
    nsp = ((ns + _CT - 1) // _CT) * _CT

    idxf = smpl_cloth_idx.astype(jnp.float32)[..., None]
    validf = (smpl_cloth_valid > 0).astype(jnp.float32)[..., None]
    saug = jnp.concatenate(
        [v_template.astype(jnp.float32), idxf, validf], axis=-1)
    saug = jnp.pad(saug, ((0, 0), (0, nsp - ns), (0, 0)))
    cloth_t = jnp.transpose(cloth_meshes_unposed, (0, 2, 1))
    params = jnp.zeros((1, 128), jnp.float32)
    params = params.at[0, 0].set(jnp.asarray(sdf_thresh, jnp.float32))
    params = params.at[0, 1].set(jnp.asarray(dist_thresh, jnp.float32) ** 2)
    params = params.at[0, 2].set(cloth_idx[0].astype(jnp.float32))
    params = params.at[0, 3].set(cloth_idx[1].astype(jnp.float32))

    body = functools.partial(_dist_hit_body, nsp=nsp, nc=nc, ct=_CT)
    dmin, hit = pl.pallas_call(
        body,
        grid=(b,),
        in_specs=[
            pl.BlockSpec((1, 128), lambda i: (0, 0)),
            pl.BlockSpec((1, 3, nc), lambda i: (i, 0, 0)),
            pl.BlockSpec((1, nsp, 5), lambda i: (i, 0, 0)),
        ],
        out_specs=(pl.BlockSpec((1, 1, nc), lambda i: (i, 0, 0)),
                   pl.BlockSpec((1, 1, nc), lambda i: (i, 0, 0))),
        out_shape=(jax.ShapeDtypeStruct((b, 1, nc), jnp.float32),
                   jax.ShapeDtypeStruct((b, 1, nc), jnp.float32)),
    )(params, cloth_t, saug)

    scparams = jnp.stack([
        jnp.full((16,), jnp.asarray(sdf_thresh, jnp.float32)),
        jnp.full((16,), jnp.asarray(dist_thresh, jnp.float32) ** 2),
        jnp.zeros((16,), jnp.float32),
        jnp.zeros((16,), jnp.float32),
    ])
    loss_p, any_p = _sc_loss_reduce(dmin.reshape(b * nc), hit.reshape(b * nc),
                                    sdf.reshape(b * nc), scparams, b, nc)
    loss_p = loss_p.reshape(b, -1)
    any_p = any_p.reshape(b, -1)
    exist = (jnp.max(any_p, axis=1) > 0.0).astype(jnp.float32)
    return jnp.sum(loss_p, axis=1) / jnp.float32(nc) * exist

# --- scband reference (transcript-rebuilt; emitter-appended) ---
"""Pipeline reference for scband-sdf-dploss-5669356834126 (READ-ONLY COPY).

The authoritative reference and input builder live on the scoring server;
editing this copy changes nothing except your own understanding.
"""

import jax, jax.numpy as jnp
import numpy as np

MIN_DIST_THRESH = 0.05  # stands in for cfg.min_dist_thresh[cloth_type] (cfg is a mocked config in the original)


def setup_inputs(seed: int = 0) -> dict:
    key = jax.random.key(seed)
    ks = jax.random.split(key, 5)
    B, Nc, Ns = 4, 4096, 6890
    sdf = jax.random.normal(ks[0], (B, Nc), dtype=jnp.float32)
    cloth_meshes_unposed = jax.random.normal(ks[1], (B, Nc, 3), dtype=jnp.float32)
    smpl_cloth_idx = jax.random.randint(ks[2], (B, Ns), 0, 5)
    smpl_cloth_valid = jax.random.randint(ks[3], (B, Ns), 0, 2)
    cloth_idx = jnp.arange(2, dtype=jnp.int32)
    v_template = jax.random.normal(ks[4], (B, Ns, 3), dtype=jnp.float32)
    return {
        "sdf": sdf,
        "cloth_meshes_unposed": cloth_meshes_unposed,
        "smpl_cloth_idx": smpl_cloth_idx,
        "smpl_cloth_valid": smpl_cloth_valid,
        "cloth_idx": cloth_idx,
        "sdf_thresh": 1.0,
        "dist_thresh": 1.0,
        "v_template": v_template,
    }


def reference(sdf, cloth_meshes_unposed, smpl_cloth_idx, smpl_cloth_valid, cloth_idx, sdf_thresh, dist_thresh, v_template):
    B = sdf.shape[0]
    losses = []
    for bid in range(B):
        valid = smpl_cloth_valid[bid] > 0              # [Ns]
        smpl_verts = v_template[bid]                   # [Ns, 3]
        cloth_verts = cloth_meshes_unposed[bid]        # [Nc, 3]
        # brute-force 1-NN: pairwise euclidean distances [Nc, Ns]
        dists = jnp.sqrt(jnp.sum((smpl_verts[None, :, :] - cloth_verts[:, None, :]) ** 2, axis=2))
        dists = jnp.where(dists < MIN_DIST_THRESH, 9999.0, dists)
        dists = jnp.where(valid[None, :], dists, jnp.inf)
        query_point_idx = jnp.argmin(dists, axis=1)
        dmin = jnp.min(dists, axis=1)
        target_cloth_idx = smpl_cloth_idx[bid][query_point_idx]
        hit = jnp.sum((target_cloth_idx[None, :] == cloth_idx[:, None]).astype(jnp.int32), axis=0) > 0
        hit_f = hit.astype(jnp.float32)
        within = (dmin < dist_thresh).astype(jnp.float32)
        loss_pos = jnp.abs(sdf[bid, :]) * hit_f * within
        loss_neg = jnp.abs(sdf[bid, :] - sdf_thresh) * (1.0 - hit_f) * within
        cloth_exist = (jnp.sum(hit.astype(jnp.int32)) > 0).astype(jnp.float32)
        losses.append(jnp.mean(loss_pos + loss_neg) * cloth_exist)
    return jnp.stack(losses)

if __name__ == "__main__":
    import jax
    _d = setup_inputs()
    print(jax.jit(kernel)(*tuple(_d.values())))

</pallas_src>

<mosaic_0001>
#map = affine_map<(d0, d1) -> (0)>
#map1 = affine_map<(d0, d1) -> (0, 0)>
module attributes {stable_mosaic.version = 14 : i64} {
  func.func @sc_kernel(%arg0: i32, %arg1: i32, %arg2: memref<16384xf32, #tpu.memory_space<hbm>>, %arg3: memref<16384xf32, #tpu.memory_space<hbm>>, %arg4: memref<16384xf32, #tpu.memory_space<hbm>>, %arg5: memref<4x16xf32, #tpu.memory_space<hbm>>, %arg6: memref<32x16xf32, #tpu.memory_space<hbm>>, %arg7: memref<32x16xf32, #tpu.memory_space<hbm>>, %arg8: memref<512xf32, #tpu.memory_space<vmem>>, %arg9: memref<512xf32, #tpu.memory_space<vmem>>, %arg10: memref<512xf32, #tpu.memory_space<vmem>>, %arg11: memref<4x16xf32, #tpu.memory_space<vmem>>, %arg12: memref<16xf32, #tpu.memory_space<vmem>>, %arg13: memref<16xf32, #tpu.memory_space<vmem>>) attributes {dimension_semantics = [#tpu.dimension_semantics<core_parallel>, #tpu.dimension_semantics<subcore_parallel>], iteration_bounds = array<i64: 2, 16>, scalar_prefetch = 0 : i64, scratch_operands = 6 : i64, tpu.core_type = #tpu.core_type<sc_vector_subcore>, window_params = [{transform_indices = #map}, {transform_indices = #map}, {transform_indices = #map}, {transform_indices = #map1}, {transform_indices = #map1}, {transform_indices = #map1}]} {
    %mul3A = arith.constant 2 : i32
    %mul3A_0 = arith.muli %arg1, %mul3A : i32
    %add3A = arith.addi %mul3A_0, %arg0 : i32
    %mul3A_1 = arith.constant 512 : i32
    %mul3A_2 = arith.muli %add3A, %mul3A_1 : i32
    "tpu.region"() ({
      %run_scoped3A = tpu.sem_alloc : memref<!tpu.dma_semaphore, #tpu.memory_space<semaphore_mem>>
      %dma_start3A = tpu.memref_slice %arg2[%mul3A_2] : memref<16384xf32, #tpu.memory_space<hbm>> -> memref<512xf32, #tpu.memory_space<hbm>>
      %dma_start3A_723 = tpu.memref_slice %arg2[%mul3A_2] : memref<16384xf32, #tpu.memory_space<hbm>> -> memref<512xf32, #tpu.memory_space<hbm>>
      tpu.enqueue_dma source(%dma_start3A_723 : memref<512xf32, #tpu.memory_space<hbm>>) target(%arg8 : memref<512xf32, #tpu.memory_space<vmem>>) target_semaphore(%run_scoped3A : memref<!tpu.dma_semaphore, #tpu.memory_space<semaphore_mem>>)
      %dma_wait3A = tpu.memref_slice %arg2[%mul3A_2] : memref<16384xf32, #tpu.memory_space<hbm>> -> memref<512xf32, #tpu.memory_space<hbm>>
      %dma_wait3A_724 = tpu.memref_slice %arg2[%mul3A_2] : memref<16384xf32, #tpu.memory_space<hbm>> -> memref<512xf32, #tpu.memory_space<hbm>>
      tpu.wait_dma2 semaphore(%run_scoped3A : memref<!tpu.dma_semaphore, #tpu.memory_space<semaphore_mem>>) src(%dma_wait3A_724 : memref<512xf32, #tpu.memory_space<hbm>>) dst(%arg8 : memref<512xf32, #tpu.memory_space<vmem>>)
      tpu.yield
    }) : () -> ()
    "tpu.region"() ({
      %run_scoped3A = tpu.sem_alloc : memref<!tpu.dma_semaphore, #tpu.memory_space<semaphore_mem>>
      %dma_start3A = tpu.memref_slice %arg3[%mul3A_2] : memref<16384xf32, #tpu.memory_space<hbm>> -> memref<512xf32, #tpu.memory_space<hbm>>
      %dma_start3A_723 = tpu.memref_slice %arg3[%mul3A_2] : memref<16384xf32, #tpu.memory_space<hbm>> -> memref<512xf32, #tpu.memory_space<hbm>>
      tpu.enqueue_dma source(%dma_start3A_723 : memref<512xf32, #tpu.memory_space<hbm>>) target(%arg9 : memref<512xf32, #tpu.memory_space<vmem>>) target_semaphore(%run_scoped3A : memref<!tpu.dma_semaphore, #tpu.memory_space<semaphore_mem>>)
      %dma_wait3A = tpu.memref_slice %arg3[%mul3A_2] : memref<16384xf32, #tpu.memory_space<hbm>> -> memref<512xf32, #tpu.memory_space<hbm>>
      %dma_wait3A_724 = tpu.memref_slice %arg3[%mul3A_2] : memref<16384xf32, #tpu.memory_space<hbm>> -> memref<512xf32, #tpu.memory_space<hbm>>
      tpu.wait_dma2 semaphore(%run_scoped3A : memref<!tpu.dma_semaphore, #tpu.memory_space<semaphore_mem>>) src(%dma_wait3A_724 : memref<512xf32, #tpu.memory_space<hbm>>) dst(%arg9 : memref<512xf32, #tpu.memory_space<vmem>>)
      tpu.yield
    }) : () -> ()
    "tpu.region"() ({
      %run_scoped3A = tpu.sem_alloc : memref<!tpu.dma_semaphore, #tpu.memory_space<semaphore_mem>>
      %dma_start3A = tpu.memref_slice %arg4[%mul3A_2] : memref<16384xf32, #tpu.memory_space<hbm>> -> memref<512xf32, #tpu.memory_space<hbm>>
      %dma_start3A_723 = tpu.memref_slice %arg4[%mul3A_2] : memref<16384xf32, #tpu.memory_space<hbm>> -> memref<512xf32, #tpu.memory_space<hbm>>
      tpu.enqueue_dma source(%dma_start3A_723 : memref<512xf32, #tpu.memory_space<hbm>>) target(%arg10 : memref<512xf32, #tpu.memory_space<vmem>>) target_semaphore(%run_scoped3A : memref<!tpu.dma_semaphore, #tpu.memory_space<semaphore_mem>>)
      %dma_wait3A = tpu.memref_slice %arg4[%mul3A_2] : memref<16384xf32, #tpu.memory_space<hbm>> -> memref<512xf32, #tpu.memory_space<hbm>>
      %dma_wait3A_724 = tpu.memref_slice %arg4[%mul3A_2] : memref<16384xf32, #tpu.memory_space<hbm>> -> memref<512xf32, #tpu.memory_space<hbm>>
      tpu.wait_dma2 semaphore(%run_scoped3A : memref<!tpu.dma_semaphore, #tpu.memory_space<semaphore_mem>>) src(%dma_wait3A_724 : memref<512xf32, #tpu.memory_space<hbm>>) dst(%arg10 : memref<512xf32, #tpu.memory_space<vmem>>)
      tpu.yield
    }) : () -> ()
    "tpu.region"() ({
      %run_scoped3A = tpu.sem_alloc : memref<!tpu.dma_semaphore, #tpu.memory_space<semaphore_mem>>
      tpu.enqueue_dma source(%arg5 : memref<4x16xf32, #tpu.memory_space<hbm>>) target(%arg11 : memref<4x16xf32, #tpu.memory_space<vmem>>) target_semaphore(%run_scoped3A : memref<!tpu.dma_semaphore, #tpu.memory_space<semaphore_mem>>)
      tpu.wait_dma2 semaphore(%run_scoped3A : memref<!tpu.dma_semaphore, #tpu.memory_space<semaphore_mem>>) src(%arg5 : memref<4x16xf32, #tpu.memory_space<hbm>>) dst(%arg11 : memref<4x16xf32, #tpu.memory_space<vmem>>)
      tpu.yield
    }) : () -> ()
    %get3A = arith.constant 0 : i32
    %get3A_3 = arith.index_cast %get3A : i32 to index
    %get3A_4 = arith.constant 0 : index
    %get3A_5 = tpu.vector_load %arg11[%get3A_3, %get3A_4] {strides = array<i32>} : memref<4x16xf32, #tpu.memory_space<vmem>>, vector<1x16xf32>,
    %get3A_6 = vector.shape_cast %get3A_5 : vector<1x16xf32> to vector<16xf32>
    %get3A_7 = arith.constant 1 : i32
    %get3A_8 = arith.index_cast %get3A_7 : i32 to index
    %get3A_9 = arith.constant 0 : index
    %get3A_10 = tpu.vector_load %arg11[%get3A_8, %get3A_9] {strides = array<i32>} : memref<4x16xf32, #tpu.memory_space<vmem>>, vector<1x16xf32>,
    %get3A_11 = vector.shape_cast %get3A_10 : vector<1x16xf32> to vector<16xf32>
    %broadcast_in_dim3A = arith.constant 0.000000e+00 : f32
    %broadcast_in_dim3A_12 = vector.broadcast %broadcast_in_dim3A : f32 to vector<16xf32>
    %broadcast_in_dim3A_13 = arith.constant 0.000000e+00 : f32
    %broadcast_in_dim3A_14 = vector.broadcast %broadcast_in_dim3A_13 : f32 to vector<16xf32>
    %broadcast_in_dim3A_15 = arith.constant 0.000000e+00 : f32
    %broadcast_in_dim3A_16 = vector.broadcast %broadcast_in_dim3A_15 : f32 to vector<16xf32>
    %get3A_17 = arith.constant 0 : index
    %get3A_18 = tpu.vector_load %arg8[%get3A_17] {strides = array<i32>} : memref<512xf32, #tpu.memory_space<vmem>>, vector<16xf32>,
    %get3A_19 = vector.shape_cast %get3A_18 : vector<16xf32> to vector<16xf32>
    %get3A_20 = arith.constant 0 : index
    %get3A_21 = tpu.vector_load %arg9[%get3A_20] {strides = array<i32>} : memref<512xf32, #tpu.memory_space<vmem>>, vector<16xf32>,
    %get3A_22 = vector.shape_cast %get3A_21 : vector<16xf32> to vector<16xf32>
    %get3A_23 = arith.constant 0 : index
    %get3A_24 = tpu.vector_load %arg10[%get3A_23] {strides = array<i32>} : memref<512xf32, #tpu.memory_space<vmem>>, vector<16xf32>,
    %get3A_25 = vector.shape_cast %get3A_24 : vector<16xf32> to vector<16xf32>
    %lt3A = arith.cmpf olt, %get3A_19, %get3A_11 : vector<16xf32>
    %abs3A = math.absf %get3A_25 : vector<16xf32>
    %mul3A_26 = arith.mulf %abs3A, %get3A_22 : vector<16xf32>
    %sub3A = arith.subf %get3A_25, %get3A_6 : vector<16xf32>
    %abs3A_27 = math.absf %sub3A : vector<16xf32>
    %sub3A_28 = arith.constant 1.000000e+00 : f32
    %sub3A_29 = vector.broadcast %sub3A_28 : f32 to vector<16xf32>
    %sub3A_30 = arith.subf %sub3A_29, %get3A_22 : vector<16xf32>
    %mul3A_31 = arith.mulf %abs3A_27, %sub3A_30 : vector<16xf32>
    %add3A_32 = arith.addf %mul3A_26, %mul3A_31 : vector<16xf32>
    %select_n3A = arith.select %lt3A, %add3A_32, %broadcast_in_dim3A_16 : vector<16xi1>, vector<16xf32>
    %add3A_33 = arith.addf %broadcast_in_dim3A_12, %select_n3A : vector<16xf32>
    %max3A = arith.maximumf %broadcast_in_dim3A_14, %get3A_22 : vector<16xf32>
    %get3A_34 = arith.constant 16 : index
    %get3A_35 = tpu.vector_load %arg8[%get3A_34] {strides = array<i32>} : memref<512xf32, #tpu.memory_space<vmem>>, vector<16xf32>,
    %get3A_36 = vector.shape_cast %get3A_35 : vector<16xf32> to vector<16xf32>
    %get3A_37 = arith.constant 16 : index
    %get3A_38 = tpu.vector_load %arg9[%get3A_37] {strides = array<i32>} : memref<512xf32, #tpu.memory_space<vmem>>, vector<16xf32>,
    %get3A_39 = vector.shape_cast %get3A_38 : vector<16xf32> to vector<16xf32>
    %get3A_40 = arith.constant 16 : index
    %get3A_41 = tpu.vector_load %arg10[%get3A_40] {strides = array<i32>} : memref<512xf32, #tpu.memory_space<vmem>>, vector<16xf32>,
    %get3A_42 = vector.shape_cast %get3A_41 : vector<16xf32> to vector<16xf32>
    %lt3A_43 = arith.cmpf olt, %get3A_36, %get3A_11 : vector<16xf32>
    %abs3A_44 = math.absf %get3A_42 : vector<16xf32>
    %mul3A_45 = arith.mulf %abs3A_44, %get3A_39 : vector<16xf32>
    %sub3A_46 = arith.subf %get3A_42, %get3A_6 : vector<16xf32>
    %abs3A_47 = math.absf %sub3A_46 : vector<16xf32>
    %sub3A_48 = arith.constant 1.000000e+00 : f32
    %sub3A_49 = vector.broadcast %sub3A_48 : f32 to vector<16xf32>
    %sub3A_50 = arith.subf %sub3A_49, %get3A_39 : vector<16xf32>
    %mul3A_51 = arith.mulf %abs3A_47, %sub3A_50 : vector<16xf32>
    %add3A_52 = arith.addf %mul3A_45, %mul3A_51 : vector<16xf32>
    %select_n3A_53 = arith.select %lt3A_43, %add3A_52, %broadcast_in_dim3A_16 : vector<16xi1>, vector<16xf32>
    %add3A_54 = arith.addf %add3A_33, %select_n3A_53 : vector<16xf32>
    %max3A_55 = arith.maximumf %max3A, %get3A_39 : vector<16xf32>
    %get3A_56 = arith.constant 32 : index
    %get3A_57 = tpu.vector_load %arg8[%get3A_56] {strides = array<i32>} : memref<512xf32, #tpu.memory_space<vmem>>, vector<16xf32>,
    %get3A_58 = vector.shape_cast %get3A_57 : vector<16xf32> to vector<16xf32>
    %get3A_59 = arith.constant 32 : index
    %get3A_60 = tpu.vector_load %arg9[%get3A_59] {strides = array<i32>} : memref<512xf32, #tpu.memory_space<vmem>>, vector<16xf32>,
    %get3A_61 = vector.shape_cast %get3A_60 : vector<16xf32> to vector<16xf32>
    %get3A_62 = arith.constant 32 : index
    %get3A_63 = tpu.vector_load %arg10[%get3A_62] {strides = array<i32>} : memref<512xf32, #tpu.memory_space<vmem>>, vector<16xf32>,
    %get3A_64 = vector.shape_cast %get3A_63 : vector<16xf32> to vector<16xf32>
    %lt3A_65 = arith.cmpf olt, %get3A_58, %get3A_11 : vector<16xf32>
    %abs3A_66 = math.absf %get3A_64 : vector<16xf32>
    %mul3A_67 = arith.mulf %abs3A_66, %get3A_61 : vector<16xf32>
    %sub3A_68 = arith.subf %get3A_64, %get3A_6 : vector<16xf32>
    %abs3A_69 = math.absf %sub3A_68 : vector<16xf32>
    %sub3A_70 = arith.constant 1.000000e+00 : f32
    %sub3A_71 = vector.broadcast %sub3A_70 : f32 to vector<16xf32>
    %sub3A_72 = arith.subf %sub3A_71, %get3A_61 : vector<16xf32>
    %mul3A_73 = arith.mulf %abs3A_69, %sub3A_72 : vector<16xf32>
    %add3A_74 = arith.addf %mul3A_67, %mul3A_73 : vector<16xf32>
    %select_n3A_75 = arith.select %lt3A_65, %add3A_74, %broadcast_in_dim3A_16 : vector<16xi1>, vector<16xf32>
    %add3A_76 = arith.addf %add3A_54, %select_n3A_75 : vector<16xf32>
    %max3A_77 = arith.maximumf %max3A_55, %get3A_61 : vector<16xf32>
    %get3A_78 = arith.constant 48 : index
    %get3A_79 = tpu.vector_load %arg8[%get3A_78] {strides = array<i32>} : memref<512xf32, #tpu.memory_space<vmem>>, vector<16xf32>,
    %get3A_80 = vector.shape_cast %get3A_79 : vector<16xf32> to vector<16xf32>
    %get3A_81 = arith.constant 48 : index
    %get3A_82 = tpu.vector_load %arg9[%get3A_81] {strides = array<i32>} : memref<512xf32, #tpu.memory_space<vmem>>, vector<16xf32>,
    %get3A_83 = vector.shape_cast %get3A_82 : vector<16xf32> to vector<16xf32>
    %get3A_84 = arith.constant 48 : index
    %get3A_85 = tpu.vector_load %arg10[%get3A_84] {strides = array<i32>} : memref<512xf32, #tpu.memory_space<vmem>>, vector<16xf32>,
    %get3A_86 = vector.shape_cast %get3A_85 : vector<16xf32> to vector<16xf32>
    %lt3A_87 = arith.cmpf olt, %get3A_80, %get3A_11 : vector<16xf32>
    %abs3A_88 = math.absf %get3A_86 : vector<16xf32>
    %mul3A_89 = arith.mulf %abs3A_88, %get3A_83 : vector<16xf32>
    %sub3A_90 = arith.subf %get3A_86, %get3A_6 : vector<16xf32>
    %abs3A_91 = math.absf %sub3A_90 : vector<16xf32>
    %sub3A_92 = arith.constant 1.000000e+00 : f32
    %sub3A_93 = vector.broadcast %sub3A_92 : f32 to vector<16xf32>
    %sub3A_94 = arith.subf %sub3A_93, %get3A_83 : vector<16xf32>
    %mul3A_95 = arith.mulf %abs3A_91, %sub3A_94 : vector<16xf32>
    %add3A_96 = arith.addf %mul3A_89, %mul3A_95 : vector<16xf32>
    %select_n3A_97 = arith.select %lt3A_87, %add3A_96, %broadcast_in_dim3A_16 : vector<16xi1>, vector<16xf32>
    %add3A_98 = arith.addf %add3A_76, %select_n3A_97 : vector<16xf32>
    %max3A_99 = arith.maximumf %max3A_77, %get3A_83 : vector<16xf32>
    %get3A_100 = arith.constant 64 : index
    %get3A_101 = tpu.vector_load %arg8[%get3A_100] {strides = array<i32>} : memref<512xf32, #tpu.memory_space<vmem>>, vector<16xf32>,
    %get3A_102 = vector.shape_cast %get3A_101 : vector<16xf32> to vector<16xf32>
    %get3A_103 = arith.constant 64 : index
    %get3A_104 = tpu.vector_load %arg9[%get3A_103] {strides = array<i32>} : memref<512xf32, #tpu.memory_space<vmem>>, vector<16xf32>,
    %get3A_105 = vector.shape_cast %get3A_104 : vector<16xf32> to vector<16xf32>
    %get3A_106 = arith.constant 64 : index
    %get3A_107 = tpu.vector_load %arg10[%get3A_106] {strides = array<i32>} : memref<512xf32, #tpu.memory_space<vmem>>, vector<16xf32>,
    %get3A_108 = vector.shape_cast %get3A_107 : vector<16xf32> to vector<16xf32>
    %lt3A_109 = arith.cmpf olt, %get3A_102, %get3A_11 : vector<16xf32>
    %abs3A_110 = math.absf %get3A_108 : vector<16xf32>
    %mul3A_111 = arith.mulf %abs3A_110, %get3A_105 : vector<16xf32>
    %sub3A_112 = arith.subf %get3A_108, %get3A_6 : vector<16xf32>
    %abs3A_113 = math.absf %sub3A_112 : vector<16xf32>
    %sub3A_114 = arith.constant 1.000000e+00 : f32
    %sub3A_115 = vector.broadcast %sub3A_114 : f32 to vector<16xf32>
    %sub3A_116 = arith.subf %sub3A_115, %get3A_105 : vector<16xf32>
    %mul3A_117 = arith.mulf %abs3A_113, %sub3A_116 : vector<16xf32>
    %add3A_118 = arith.addf %mul3A_111, %mul3A_117 : vector<16xf32>
    %select_n3A_119 = arith.select %lt3A_109, %add3A_118, %broadcast_in_dim3A_16 : vector<16xi1>, vector<16xf32>
    %add3A_120 = arith.addf %add3A_98, %select_n3A_119 : vector<16xf32>
    %max3A_121 = arith.maximumf %max3A_99, %get3A_105 : vector<16xf32>
    %get3A_122 = arith.constant 80 : index
    %get3A_123 = tpu.vector_load %arg8[%get3A_122] {strides = array<i32>} : memref<512xf32, #tpu.memory_space<vmem>>, vector<16xf32>,
    %get3A_124 = vector.shape_cast %get3A_123 : vector<16xf32> to vector<16xf32>
    %get3A_125 = arith.constant 80 : index
    %get3A_126 = tpu.vector_load %arg9[%get3A_125] {strides = array<i32>} : memref<512xf32, #tpu.memory_space<vmem>>, vector<16xf32>,
    %get3A_127 = vector.shape_cast %get3A_126 : vector<16xf32> to vector<16xf32>
    %get3A_128 = arith.constant 80 : index
    %get3A_129 = tpu.vector_load %arg10[%get3A_128] {strides = array<i32>} : memref<512xf32, #tpu.memory_space<vmem>>, vector<16xf32>,
    %get3A_130 = vector.shape_cast %get3A_129 : vector<16xf32> to vector<16xf32>
    %lt3A_131 = arith.cmpf olt, %get3A_124, %get3A_11 : vector<16xf32>
    %abs3A_132 = math.absf %get3A_130 : vector<16xf32>
    %mul3A_133 = arith.mulf %abs3A_132, %get3A_127 : vector<16xf32>
    %sub3A_134 = arith.subf %get3A_130, %get3A_6 : vector<16xf32>
    %abs3A_135 = math.absf %sub3A_134 : vector<16xf32>
    %sub3A_136 = arith.constant 1.000000e+00 : f32
    %sub3A_137 = vector.broadcast %sub3A_136 : f32 to vector<16xf32>
    %sub3A_138 = arith.subf %sub3A_137, %get3A_127 : vector<16xf32>
    %mul3A_139 = arith.mulf %abs3A_135, %sub3A_138 : vector<16xf32>
    %add3A_140 = arith.addf %mul3A_133, %mul3A_139 : vector<16xf32>
    %select_n3A_141 = arith.select %lt3A_131, %add3A_140, %broadcast_in_dim3A_16 : vector<16xi1>, vector<16xf32>
    %add3A_142 = arith.addf %add3A_120, %select_n3A_141 : vector<16xf32>
    %max3A_143 = arith.maximumf %max3A_121, %get3A_127 : vector<16xf32>
    %get3A_144 = arith.constant 96 : index
    %get3A_145 = tpu.vector_load %arg8[%get3A_144] {strides = array<i32>} : memref<512xf32, #tpu.memory_space<vmem>>, vector<16xf32>,
    %get3A_146 = vector.shape_cast %get3A_145 : vector<16xf32> to vector<16xf32>
    %get3A_147 = arith.constant 96 : index
    %get3A_148 = tpu.vector_load %arg9[%get3A_147] {strides = array<i32>} : memref<512xf32, #tpu.memory_space<vmem>>, vector<16xf32>,
    %get3A_149 = vector.shape_cast %get3A_148 : vector<16xf32> to vector<16xf32>
    %get3A_150 = arith.constant 96 : index
    %get3A_151 = tpu.vector_load %arg10[%get3A_150] {strides = array<i32>} : memref<512xf32, #tpu.memory_space<vmem>>, vector<16xf32>,
    %get3A_152 = vector.shape_cast %get3A_151 : vector<16xf32> to vector<16xf32>
    %lt3A_153 = arith.cmpf olt, %get3A_146, %get3A_11 : vector<16xf32>
    %abs3A_154 = math.absf %get3A_152 : vector<16xf32>
    %mul3A_155 = arith.mulf %abs3A_154, %get3A_149 : vector<16xf32>
    %sub3A_156 = arith.subf %get3A_152, %get3A_6 : vector<16xf32>
    %abs3A_157 = math.absf %sub3A_156 : vector<16xf32>
    %sub3A_158 = arith.constant 1.000000e+00 : f32
    %sub3A_159 = vector.broadcast %sub3A_158 : f32 to vector<16xf32>
    %sub3A_160 = arith.subf %sub3A_159, %get3A_149 : vector<16xf32>
    %mul3A_161 = arith.mulf %abs3A_157, %sub3A_160 : vector<16xf32>
    %add3A_162 = arith.addf %mul3A_155, %mul3A_161 : vector<16xf32>
    %select_n3A_163 = arith.select %lt3A_153, %add3A_162, %broadcast_in_dim3A_16 : vector<16xi1>, vector<16xf32>
    %add3A_164 = arith.addf %add3A_142, %select_n3A_163 : vector<16xf32>
    %max3A_165 = arith.maximumf %max3A_143, %get3A_149 : vector<16xf32>
    %get3A_166 = arith.constant 112 : index
    %get3A_167 = tpu.vector_load %arg8[%get3A_166] {strides = array<i32>} : memref<512xf32, #tpu.memory_space<vmem>>, vector<16xf32>,
    %get3A_168 = vector.shape_cast %get3A_167 : vector<16xf32> to vector<16xf32>
    %get3A_169 = arith.constant 112 : index
    %get3A_170 = tpu.vector_load %arg9[%get3A_169] {strides = array<i32>} : memref<512xf32, #tpu.memory_space<vmem>>, vector<16xf32>,
    %get3A_171 = vector.shape_cast %get3A_170 : vector<16xf32> to vector<16xf32>
    %get3A_172 = arith.constant 112 : index
    %get3A_173 = tpu.vector_load %arg10[%get3A_172] {strides = array<i32>} : memref<512xf32, #tpu.memory_space<vmem>>, vector<16xf32>,
    %get3A_174 = vector.shape_cast %get3A_173 : vector<16xf32> to vector<16xf32>
    %lt3A_175 = arith.cmpf olt, %get3A_168, %get3A_11 : vector<16xf32>
    %abs3A_176 = math.absf %get3A_174 : vector<16xf32>
    %mul3A_177 = arith.mulf %abs3A_176, %get3A_171 : vector<16xf32>
    %sub3A_178 = arith.subf %get3A_174, %get3A_6 : vector<16xf32>
    %abs3A_179 = math.absf %sub3A_178 : vector<16xf32>
    %sub3A_180 = arith.constant 1.000000e+00 : f32
    %sub3A_181 = vector.broadcast %sub3A_180 : f32 to vector<16xf32>
    %sub3A_182 = arith.subf %sub3A_181, %get3A_171 : vector<16xf32>
    %mul3A_183 = arith.mulf %abs3A_179, %sub3A_182 : vector<16xf32>
    %add3A_184 = arith.addf %mul3A_177, %mul3A_183 : vector<16xf32>
    %select_n3A_185 = arith.select %lt3A_175, %add3A_184, %broadcast_in_dim3A_16 : vector<16xi1>, vector<16xf32>
    %add3A_186 = arith.addf %add3A_164, %select_n3A_185 : vector<16xf32>
    %max3A_187 = arith.maximumf %max3A_165, %get3A_171 : vector<16xf32>
    %get3A_188 = arith.constant 128 : index
    %get3A_189 = tpu.vector_load %arg8[%get3A_188] {strides = array<i32>} : memref<512xf32, #tpu.memory_space<vmem>>, vector<16xf32>,
    %get3A_190 = vector.shape_cast %get3A_189 : vector<16xf32> to vector<16xf32>
    %get3A_191 = arith.constant 128 : index
    %get3A_192 = tpu.vector_load %arg9[%get3A_191] {strides = array<i32>} : memref<512xf32, #tpu.memory_space<vmem>>, vector<16xf32>,
    %get3A_193 = vector.shape_cast %get3A_192 : vector<16xf32> to vector<16xf32>
    %get3A_194 = arith.constant 128 : index
    %get3A_195 = tpu.vector_load %arg10[%get3A_194] {strides = array<i32>} : memref<512xf32, #tpu.memory_space<vmem>>, vector<16xf32>,
    %get3A_196 = vector.shape_cast %get3A_195 : vector<16xf32> to vector<16xf32>
    %lt3A_197 = arith.cmpf olt, %get3A_190, %get3A_11 : vector<16xf32>
    %abs3A_198 = math.absf %get3A_196 : vector<16xf32>
    %mul3A_199 = arith.mulf %abs3A_198, %get3A_193 : vector<16xf32>
    %sub3A_200 = arith.subf %get3A_196, %get3A_6 : vector<16xf32>
    %abs3A_201 = math.absf %sub3A_200 : vector<16xf32>
    %sub3A_202 = arith.constant 1.000000e+00 : f32
    %sub3A_203 = vector.broadcast %sub3A_202 : f32 to vector<16xf32>
    %sub3A_204 = arith.subf %sub3A_203, %get3A_193 : vector<16xf32>
    %mul3A_205 = arith.mulf %abs3A_201, %sub3A_204 : vector<16xf32>
    %add3A_206 = arith.addf %mul3A_199, %mul3A_205 : vector<16xf32>
    %select_n3A_207 = arith.select %lt3A_197, %add3A_206, %broadcast_in_dim3A_16 : vector<16xi1>, vector<16xf32>
    %add3A_208 = arith.addf %add3A_186, %select_n3A_207 : vector<16xf32>
    %max3A_209 = arith.maximumf %max3A_187, %get3A_193 : vector<16xf32>
    %get3A_210 = arith.constant 144 : index
    %get3A_211 = tpu.vector_load %arg8[%get3A_210] {strides = array<i32>} : memref<512xf32, #tpu.memory_space<vmem>>, vector<16xf32>,
    %get3A_212 = vector.shape_cast %get3A_211 : vector<16xf32> to vector<16xf32>
    %get3A_213 = arith.constant 144 : index
    %get3A_214 = tpu.vector_load %arg9[%get3A_213] {strides = array<i32>} : memref<512xf32, #tpu.memory_space<vmem>>, vector<16xf32>,
    %get3A_215 = vector.shape_cast %get3A_214 : vector<16xf32> to vector<16xf32>
    %get3A_216 = arith.constant 144 : index
    %get3A_217 = tpu.vector_load %arg10[%get3A_216] {strides = array<i32>} : memref<512xf32, #tpu.memory_space<vmem>>, vector<16xf32>,
    %get3A_218 = vector.shape_cast %get3A_217 : vector<16xf32> to vector<16xf32>
    %lt3A_219 = arith.cmpf olt, %get3A_212, %get3A_11 : vector<16xf32>
    %abs3A_220 = math.absf %get3A_218 : vector<16xf32>
    %mul3A_221 = arith.mulf %abs3A_220, %get3A_215 : vector<16xf32>
    %sub3A_222 = arith.subf %get3A_218, %get3A_6 : vector<16xf32>
    %abs3A_223 = math.absf %sub3A_222 : vector<16xf32>
    %sub3A_224 = arith.constant 1.000000e+00 : f32
    %sub3A_225 = vector.broadcast %sub3A_224 : f32 to vector<16xf32>
    %sub3A_226 = arith.subf %sub3A_225, %get3A_215 : vector<16xf32>
    %mul3A_227 = arith.mulf %abs3A_223, %sub3A_226 : vector<16xf32>
    %add3A_228 = arith.addf %mul3A_221, %mul3A_227 : vector<16xf32>
    %select_n3A_229 = arith.select %lt3A_219, %add3A_228, %broadcast_in_dim3A_16 : vector<16xi1>, vector<16xf32>
    %add3A_230 = arith.addf %add3A_208, %select_n3A_229 : vector<16xf32>
    %max3A_231 = arith.maximumf %max3A_209, %get3A_215 : vector<16xf32>
    %get3A_232 = arith.constant 160 : index
    %get3A_233 = tpu.vector_load %arg8[%get3A_232] {strides = array<i32>} : memref<512xf32, #tpu.memory_space<vmem>>, vector<16xf32>,
    %get3A_234 = vector.shape_cast %get3A_233 : vector<16xf32> to vector<16xf32>
    %get3A_235 = arith.constant 160 : index
    %get3A_236 = tpu.vector_load %arg9[%get3A_235] {strides = array<i32>} : memref<512xf32, #tpu.memory_space<vmem>>, vector<16xf32>,
    %get3A_237 = vector.shape_cast %get3A_236 : vector<16xf32> to vector<16xf32>
    %get3A_238 = arith.constant 160 : index
    %get3A_239 = tpu.vector_load %arg10[%get3A_238] {strides = array<i32>} : memref<512xf32, #tpu.memory_space<vmem>>, vector<16xf32>,
    %get3A_240 = vector.shape_cast %get3A_239 : vector<16xf32> to vector<16xf32>
    %lt3A_241 = arith.cmpf olt, %get3A_234, %get3A_11 : vector<16xf32>
    %abs3A_242 = math.absf %get3A_240 : vector<16xf32>
    %mul3A_243 = arith.mulf %abs3A_242, %get3A_237 : vector<16xf32>
    %sub3A_244 = arith.subf %get3A_240, %get3A_6 : vector<16xf32>
    %abs3A_245 = math.absf %sub3A_244 : vector<16xf32>
    %sub3A_246 = arith.constant 1.000000e+00 : f32
    %sub3A_247 = vector.broadcast %sub3A_246 : f32 to vector<16xf32>
    %sub3A_248 = arith.subf %sub3A_247, %get3A_237 : vector<16xf32>
    %mul3A_249 = arith.mulf %abs3A_245, %sub3A_248 : vector<16xf32>
    %add3A_250 = arith.addf %mul3A_243, %mul3A_249 : vector<16xf32>
    %select_n3A_251 = arith.select %lt3A_241, %add3A_250, %broadcast_in_dim3A_16 : vector<16xi1>, vector<16xf32>
    %add3A_252 = arith.addf %add3A_230, %select_n3A_251 : vector<16xf32>
    %max3A_253 = arith.maximumf %max3A_231, %get3A_237 : vector<16xf32>
    %get3A_254 = arith.constant 176 : index
    %get3A_255 = tpu.vector_load %arg8[%get3A_254] {strides = array<i32>} : memref<512xf32, #tpu.memory_space<vmem>>, vector<16xf32>,
    %get3A_256 = vector.shape_cast %get3A_255 : vector<16xf32> to vector<16xf32>
    %get3A_257 = arith.constant 176 : index
    %get3A_258 = tpu.vector_load %arg9[%get3A_257] {strides = array<i32>} : memref<512xf32, #tpu.memory_space<vmem>>, vector<16xf32>,
    %get3A_259 = vector.shape_cast %get3A_258 : vector<16xf32> to vector<16xf32>
    %get3A_260 = arith.constant 176 : index
    %get3A_261 = tpu.vector_load %arg10[%get3A_260] {strides = array<i32>} : memref<512xf32, #tpu.memory_space<vmem>>, vector<16xf32>,
    %get3A_262 = vector.shape_cast %get3A_261 : vector<16xf32> to vector<16xf32>
    %lt3A_263 = arith.cmpf olt, %get3A_256, %get3A_11 : vector<16xf32>
    %abs3A_264 = math.absf %get3A_262 : vector<16xf32>
    %mul3A_265 = arith.mulf %abs3A_264, %get3A_259 : vector<16xf32>
    %sub3A_266 = arith.subf %get3A_262, %get3A_6 : vector<16xf32>
    %abs3A_267 = math.absf %sub3A_266 : vector<16xf32>
    %sub3A_268 = arith.constant 1.000000e+00 : f32
    %sub3A_269 = vector.broadcast %sub3A_268 : f32 to vector<16xf32>
    %sub3A_270 = arith.subf %sub3A_269, %get3A_259 : vector<16xf32>
    %mul3A_271 = arith.mulf %abs3A_267, %sub3A_270 : vector<16xf32>
    %add3A_272 = arith.addf %mul3A_265, %mul3A_271 : vector<16xf32>
    %select_n3A_273 = arith.select %lt3A_263, %add3A_272, %broadcast_in_dim3A_16 : vector<16xi1>, vector<16xf32>
    %add3A_274 = arith.addf %add3A_252, %select_n3A_273 : vector<16xf32>
    %max3A_275 = arith.maximumf %max3A_253, %get3A_259 : vector<16xf32>
    %get3A_276 = arith.constant 192 : index
    %get3A_277 = tpu.vector_load %arg8[%get3A_276] {strides = array<i32>} : memref<512xf32, #tpu.memory_space<vmem>>, vector<16xf32>,
    %get3A_278 = vector.shape_cast %get3A_277 : vector<16xf32> to vector<16xf32>
    %get3A_279 = arith.constant 192 : index
    %get3A_280 = tpu.vector_load %arg9[%get3A_279] {strides = array<i32>} : memref<512xf32, #tpu.memory_space<vmem>>, vector<16xf32>,
    %get3A_281 = vector.shape_cast %get3A_280 : vector<16xf32> to vector<16xf32>
    %get3A_282 = arith.constant 192 : index
    %get3A_283 = tpu.vector_load %arg10[%get3A_282] {strides = array<i32>} : memref<512xf32, #tpu.memory_space<vmem>>, vector<16xf32>,
    %get3A_284 = vector.shape_cast %get3A_283 : vector<16xf32> to vector<16xf32>
    %lt3A_285 = arith.cmpf olt, %get3A_278, %get3A_11 : vector<16xf32>
    %abs3A_286 = math.absf %get3A_284 : vector<16xf32>
    %mul3A_287 = arith.mulf %abs3A_286, %get3A_281 : vector<16xf32>
    %sub3A_288 = arith.subf %get3A_284, %get3A_6 : vector<16xf32>
    %abs3A_289 = math.absf %sub3A_288 : vector<16xf32>
    %sub3A_290 = arith.constant 1.000000e+00 : f32
    %sub3A_291 = vector.broadcast %sub3A_290 : f32 to vector<16xf32>
    %sub3A_292 = arith.subf %sub3A_291, %get3A_281 : vector<16xf32>
    %mul3A_293 = arith.mulf %abs3A_289, %sub3A_292 : vector<16xf32>
    %add3A_294 = arith.addf %mul3A_287, %mul3A_293 : vector<16xf32>
    %select_n3A_295 = arith.select %lt3A_285, %add3A_294, %broadcast_in_dim3A_16 : vector<16xi1>, vector<16xf32>
    %add3A_296 = arith.addf %add3A_274, %select_n3A_295 : vector<16xf32>
    %max3A_297 = arith.maximumf %max3A_275, %get3A_281 : vector<16xf32>
    %get3A_298 = arith.constant 208 : index
    %get3A_299 = tpu.vector_load %arg8[%get3A_298] {strides = array<i32>} : memref<512xf32, #tpu.memory_space<vmem>>, vector<16xf32>,
    %get3A_300 = vector.shape_cast %get3A_299 : vector<16xf32> to vector<16xf32>
    %get3A_301 = arith.constant 208 : index
    %get3A_302 = tpu.vector_load %arg9[%get3A_301] {strides = array<i32>} : memref<512xf32, #tpu.memory_space<vmem>>, vector<16xf32>,
    %get3A_303 = vector.shape_cast %get3A_302 : vector<16xf32> to vector<16xf32>
    %get3A_304 = arith.constant 208 : index
    %get3A_305 = tpu.vector_load %arg10[%get3A_304] {strides = array<i32>} : memref<512xf32, #tpu.memory_space<vmem>>, vector<16xf32>,
    %get3A_306 = vector.shape_cast %get3A_305 : vector<16xf32> to vector<16xf32>
    %lt3A_307 = arith.cmpf olt, %get3A_300, %get3A_11 : vector<16xf32>
    %abs3A_308 = math.absf %get3A_306 : vector<16xf32>
    %mul3A_309 = arith.mulf %abs3A_308, %get3A_303 : vector<16xf32>
    %sub3A_310 = arith.subf %get3A_306, %get3A_6 : vector<16xf32>
    %abs3A_311 = math.absf %sub3A_310 : vector<16xf32>
    %sub3A_312 = arith.constant 1.000000e+00 : f32
    %sub3A_313 = vector.broadcast %sub3A_312 : f32 to vector<16xf32>
    %sub3A_314 = arith.subf %sub3A_313, %get3A_303 : vector<16xf32>
    %mul3A_315 = arith.mulf %abs3A_311, %sub3A_314 : vector<16xf32>
    %add3A_316 = arith.addf %mul3A_309, %mul3A_315 : vector<16xf32>
    %select_n3A_317 = arith.select %lt3A_307, %add3A_316, %broadcast_in_dim3A_16 : vector<16xi1>, vector<16xf32>
    %add3A_318 = arith.addf %add3A_296, %select_n3A_317 : vector<16xf32>
    %max3A_319 = arith.maximumf %max3A_297, %get3A_303 : vector<16xf32>
    %get3A_320 = arith.constant 224 : index
    %get3A_321 = tpu.vector_load %arg8[%get3A_320] {strides = array<i32>} : memref<512xf32, #tpu.memory_space<vmem>>, vector<16xf32>,
    %get3A_322 = vector.shape_cast %get3A_321 : vector<16xf32> to vector<16xf32>
    %get3A_323 = arith.constant 224 : index
    %get3A_324 = tpu.vector_load %arg9[%get3A_323] {strides = array<i32>} : memref<512xf32, #tpu.memory_space<vmem>>, vector<16xf32>,
    %get3A_325 = vector.shape_cast %get3A_324 : vector<16xf32> to vector<16xf32>
    %get3A_326 = arith.constant 224 : index
    %get3A_327 = tpu.vector_load %arg10[%get3A_326] {strides = array<i32>} : memref<512xf32, #tpu.memory_space<vmem>>, vector<16xf32>,
    %get3A_328 = vector.shape_cast %get3A_327 : vector<16xf32> to vector<16xf32>
    %lt3A_329 = arith.cmpf olt, %get3A_322, %get3A_11 : vector<16xf32>
    %abs3A_330 = math.absf %get3A_328 : vector<16xf32>
    %mul3A_331 = arith.mulf %abs3A_330, %get3A_325 : vector<16xf32>
    %sub3A_332 = arith.subf %get3A_328, %get3A_6 : vector<16xf32>
    %abs3A_333 = math.absf %sub3A_332 : vector<16xf32>
    %sub3A_334 = arith.constant 1.000000e+00 : f32
    %sub3A_335 = vector.broadcast %sub3A_334 : f32 to vector<16xf32>
    %sub3A_336 = arith.subf %sub3A_335, %get3A_325 : vector<16xf32>
    %mul3A_337 = arith.mulf %abs3A_333, %sub3A_336 : vector<16xf32>
    %add3A_338 = arith.addf %mul3A_331, %mul3A_337 : vector<16xf32>
    %select_n3A_339 = arith.select %lt3A_329, %add3A_338, %broadcast_in_dim3A_16 : vector<16xi1>, vector<16xf32>
    %add3A_340 = arith.addf %add3A_318, %select_n3A_339 : vector<16xf32>
    %max3A_341 = arith.maximumf %max3A_319, %get3A_325 : vector<16xf32>
    %get3A_342 = arith.constant 240 : index
    %get3A_343 = tpu.vector_load %arg8[%get3A_342] {strides = array<i32>} : memref<512xf32, #tpu.memory_space<vmem>>, vector<16xf32>,
    %get3A_344 = vector.shape_cast %get3A_343 : vector<16xf32> to vector<16xf32>
    %get3A_345 = arith.constant 240 : index
    %get3A_346 = tpu.vector_load %arg9[%get3A_345] {strides = array<i32>} : memref<512xf32, #tpu.memory_space<vmem>>, vector<16xf32>,
    %get3A_347 = vector.shape_cast %get3A_346 : vector<16xf32> to vector<16xf32>
    %get3A_348 = arith.constant 240 : index
    %get3A_349 = tpu.vector_load %arg10[%get3A_348] {strides = array<i32>} : memref<512xf32, #tpu.memory_space<vmem>>, vector<16xf32>,
    %get3A_350 = vector.shape_cast %get3A_349 : vector<16xf32> to vector<16xf32>
    %lt3A_351 = arith.cmpf olt, %get3A_344, %get3A_11 : vector<16xf32>
    %abs3A_352 = math.absf %get3A_350 : vector<16xf32>
    %mul3A_353 = arith.mulf %abs3A_352, %get3A_347 : vector<16xf32>
    %sub3A_354 = arith.subf %get3A_350, %get3A_6 : vector<16xf32>
    %abs3A_355 = math.absf %sub3A_354 : vector<16xf32>
    %sub3A_356 = arith.constant 1.000000e+00 : f32
    %sub3A_357 = vector.broadcast %sub3A_356 : f32 to vector<16xf32>
    %sub3A_358 = arith.subf %sub3A_357, %get3A_347 : vector<16xf32>
    %mul3A_359 = arith.mulf %abs3A_355, %sub3A_358 : vector<16xf32>
    %add3A_360 = arith.addf %mul3A_353, %mul3A_359 : vector<16xf32>
    %select_n3A_361 = arith.select %lt3A_351, %add3A_360, %broadcast_in_dim3A_16 : vector<16xi1>, vector<16xf32>
    %add3A_362 = arith.addf %add3A_340, %select_n3A_361 : vector<16xf32>
    %max3A_363 = arith.maximumf %max3A_341, %get3A_347 : vector<16xf32>
    %get3A_364 = arith.constant 256 : index
    %get3A_365 = tpu.vector_load %arg8[%get3A_364] {strides = array<i32>} : memref<512xf32, #tpu.memory_space<vmem>>, vector<16xf32>,
    %get3A_366 = vector.shape_cast %get3A_365 : vector<16xf32> to vector<16xf32>
    %get3A_367 = arith.constant 256 : index
    %get3A_368 = tpu.vector_load %arg9[%get3A_367] {strides = array<i32>} : memref<512xf32, #tpu.memory_space<vmem>>, vector<16xf32>,
    %get3A_369 = vector.shape_cast %get3A_368 : vector<16xf32> to vector<16xf32>
    %get3A_370 = arith.constant 256 : index
    %get3A_371 = tpu.vector_load %arg10[%get3A_370] {strides = array<i32>} : memref<512xf32, #tpu.memory_space<vmem>>, vector<16xf32>,
    %get3A_372 = vector.shape_cast %get3A_371 : vector<16xf32> to vector<16xf32>
    %lt3A_373 = arith.cmpf olt, %get3A_366, %get3A_11 : vector<16xf32>
    %abs3A_374 = math.absf %get3A_372 : vector<16xf32>
    %mul3A_375 = arith.mulf %abs3A_374, %get3A_369 : vector<16xf32>
    %sub3A_376 = arith.subf %get3A_372, %get3A_6 : vector<16xf32>
    %abs3A_377 = math.absf %sub3A_376 : vector<16xf32>
    %sub3A_378 = arith.constant 1.000000e+00 : f32
    %sub3A_379 = vector.broadcast %sub3A_378 : f32 to vector<16xf32>
    %sub3A_380 = arith.subf %sub3A_379, %get3A_369 : vector<16xf32>
    %mul3A_381 = arith.mulf %abs3A_377, %sub3A_380 : vector<16xf32>
    %add3A_382 = arith.addf %mul3A_375, %mul3A_381 : vector<16xf32>
    %select_n3A_383 = arith.select %lt3A_373, %add3A_382, %broadcast_in_dim3A_16 : vector<16xi1>, vector<16xf32>
    %add3A_384 = arith.addf %add3A_362, %select_n3A_383 : vector<16xf32>
    %max3A_385 = arith.maximumf %max3A_363, %get3A_369 : vector<16xf32>
    %get3A_386 = arith.constant 272 : index
    %get3A_387 = tpu.vector_load %arg8[%get3A_386] {strides = array<i32>} : memref<512xf32, #tpu.memory_space<vmem>>, vector<16xf32>,
    %get3A_388 = vector.shape_cast %get3A_387 : vector<16xf32> to vector<16xf32>
    %get3A_389 = arith.constant 272 : index
    %get3A_390 = tpu.vector_load %arg9[%get3A_389] {strides = array<i32>} : memref<512xf32, #tpu.memory_space<vmem>>, vector<16xf32>,
    %get3A_391 = vector.shape_cast %get3A_390 : vector<16xf32> to vector<16xf32>
    %get3A_392 = arith.constant 272 : index
    %get3A_393 = tpu.vector_load %arg10[%get3A_392] {strides = array<i32>} : memref<512xf32, #tpu.memory_space<vmem>>, vector<16xf32>,
    %get3A_394 = vector.shape_cast %get3A_393 : vector<16xf32> to vector<16xf32>
    %lt3A_395 = arith.cmpf olt, %get3A_388, %get3A_11 : vector<16xf32>
    %abs3A_396 = math.absf %get3A_394 : vector<16xf32>
    %mul3A_397 = arith.mulf %abs3A_396, %get3A_391 : vector<16xf32>
    %sub3A_398 = arith.subf %get3A_394, %get3A_6 : vector<16xf32>
    %abs3A_399 = math.absf %sub3A_398 : vector<16xf32>
    %sub3A_400 = arith.constant 1.000000e+00 : f32
    %sub3A_401 = vector.broadcast %sub3A_400 : f32 to vector<16xf32>
    %sub3A_402 = arith.subf %sub3A_401, %get3A_391 : vector<16xf32>
    %mul3A_403 = arith.mulf %abs3A_399, %sub3A_402 : vector<16xf32>
    %add3A_404 = arith.addf %mul3A_397, %mul3A_403 : vector<16xf32>
    %select_n3A_405 = arith.select %lt3A_395, %add3A_404, %broadcast_in_dim3A_16 : vector<16xi1>, vector<16xf32>
    %add3A_406 = arith.addf %add3A_384, %select_n3A_405 : vector<16xf32>
    %max3A_407 = arith.maximumf %max3A_385, %get3A_391 : vector<16xf32>
    %get3A_408 = arith.constant 288 : index
    %get3A_409 = tpu.vector_load %arg8[%get3A_408] {strides = array<i32>} : memref<512xf32, #tpu.memory_space<vmem>>, vector<16xf32>,
    %get3A_410 = vector.shape_cast %get3A_409 : vector<16xf32> to vector<16xf32>
    %get3A_411 = arith.constant 288 : index
    %get3A_412 = tpu.vector_load %arg9[%get3A_411] {strides = array<i32>} : memref<512xf32, #tpu.memory_space<vmem>>, vector<16xf32>,
    %get3A_413 = vector.shape_cast %get3A_412 : vector<16xf32> to vector<16xf32>
    %get3A_414 = arith.constant 288 : index
    %get3A_415 = tpu.vector_load %arg10[%get3A_414] {strides = array<i32>} : memref<512xf32, #tpu.memory_space<vmem>>, vector<16xf32>,
    %get3A_416 = vector.shape_cast %get3A_415 : vector<16xf32> to vector<16xf32>
    %lt3A_417 = arith.cmpf olt, %get3A_410, %get3A_11 : vector<16xf32>
    %abs3A_418 = math.absf %get3A_416 : vector<16xf32>
    %mul3A_419 = arith.mulf %abs3A_418, %get3A_413 : vector<16xf32>
    %sub3A_420 = arith.subf %get3A_416, %get3A_6 : vector<16xf32>
    %abs3A_421 = math.absf %sub3A_420 : vector<16xf32>
    %sub3A_422 = arith.constant 1.000000e+00 : f32
    %sub3A_423 = vector.broadcast %sub3A_422 : f32 to vector<16xf32>
    %sub3A_424 = arith.subf %sub3A_423, %get3A_413 : vector<16xf32>
    %mul3A_425 = arith.mulf %abs3A_421, %sub3A_424 : vector<16xf32>
    %add3A_426 = arith.addf %mul3A_419, %mul3A_425 : vector<16xf32>
    %select_n3A_427 = arith.select %lt3A_417, %add3A_426, %broadcast_in_dim3A_16 : vector<16xi1>, vector<16xf32>
    %add3A_428 = arith.addf %add3A_406, %select_n3A_427 : vector<16xf32>
    %max3A_429 = arith.maximumf %max3A_407, %get3A_413 : vector<16xf32>
    %get3A_430 = arith.constant 304 : index
    %get3A_431 = tpu.vector_load %arg8[%get3A_430] {strides = array<i32>} : memref<512xf32, #tpu.memory_space<vmem>>, vector<16xf32>,
    %get3A_432 = vector.shape_cast %get3A_431 : vector<16xf32> to vector<16xf32>
    %get3A_433 = arith.constant 304 : index
    %get3A_434 = tpu.vector_load %arg9[%get3A_433] {strides = array<i32>} : memref<512xf32, #tpu.memory_space<vmem>>, vector<16xf32>,
    %get3A_435 = vector.shape_cast %get3A_434 : vector<16xf32> to vector<16xf32>
    %get3A_436 = arith.constant 304 : index
    %get3A_437 = tpu.vector_load %arg10[%get3A_436] {strides = array<i32>} : memref<512xf32, #tpu.memory_space<vmem>>, vector<16xf32>,
    %get3A_438 = vector.shape_cast %get3A_437 : vector<16xf32> to vector<16xf32>
    %lt3A_439 = arith.cmpf olt, %get3A_432, %get3A_11 : vector<16xf32>
    %abs3A_440 = math.absf %get3A_438 : vector<16xf32>
    %mul3A_441 = arith.mulf %abs3A_440, %get3A_435 : vector<16xf32>
    %sub3A_442 = arith.subf %get3A_438, %get3A_6 : vector<16xf32>
    %abs3A_443 = math.absf %sub3A_442 : vector<16xf32>
    %sub3A_444 = arith.constant 1.000000e+00 : f32
    %sub3A_445 = vector.broadcast %sub3A_444 : f32 to vector<16xf32>
    %sub3A_446 = arith.subf %sub3A_445, %get3A_435 : vector<16xf32>
    %mul3A_447 = arith.mulf %abs3A_443, %sub3A_446 : vector<16xf32>
    %add3A_448 = arith.addf %mul3A_441, %mul3A_447 : vector<16xf32>
    %select_n3A_449 = arith.select %lt3A_439, %add3A_448, %broadcast_in_dim3A_16 : vector<16xi1>, vector<16xf32>
    %add3A_450 = arith.addf %add3A_428, %select_n3A_449 : vector<16xf32>
    %max3A_451 = arith.maximumf %max3A_429, %get3A_435 : vector<16xf32>
    %get3A_452 = arith.constant 320 : index
    %get3A_453 = tpu.vector_load %arg8[%get3A_452] {strides = array<i32>} : memref<512xf32, #tpu.memory_space<vmem>>, vector<16xf32>,
    %get3A_454 = vector.shape_cast %get3A_453 : vector<16xf32> to vector<16xf32>
    %get3A_455 = arith.constant 320 : index
    %get3A_456 = tpu.vector_load %arg9[%get3A_455] {strides = array<i32>} : memref<512xf32, #tpu.memory_space<vmem>>, vector<16xf32>,
    %get3A_457 = vector.shape_cast %get3A_456 : vector<16xf32> to vector<16xf32>
    %get3A_458 = arith.constant 320 : index
    %get3A_459 = tpu.vector_load %arg10[%get3A_458] {strides = array<i32>} : memref<512xf32, #tpu.memory_space<vmem>>, vector<16xf32>,
    %get3A_460 = vector.shape_cast %get3A_459 : vector<16xf32> to vector<16xf32>
    %lt3A_461 = arith.cmpf olt, %get3A_454, %get3A_11 : vector<16xf32>
    %abs3A_462 = math.absf %get3A_460 : vector<16xf32>
    %mul3A_463 = arith.mulf %abs3A_462, %get3A_457 : vector<16xf32>
    %sub3A_464 = arith.subf %get3A_460, %get3A_6 : vector<16xf32>
    %abs3A_465 = math.absf %sub3A_464 : vector<16xf32>
    %sub3A_466 = arith.constant 1.000000e+00 : f32
    %sub3A_467 = vector.broadcast %sub3A_466 : f32 to vector<16xf32>
    %sub3A_468 = arith.subf %sub3A_467, %get3A_457 : vector<16xf32>
    %mul3A_469 = arith.mulf %abs3A_465, %sub3A_468 : vector<16xf32>
    %add3A_470 = arith.addf %mul3A_463, %mul3A_469 : vector<16xf32>
    %select_n3A_471 = arith.select %lt3A_461, %add3A_470, %broadcast_in_dim3A_16 : vector<16xi1>, vector<16xf32>
    %add3A_472 = arith.addf %add3A_450, %select_n3A_471 : vector<16xf32>
    %max3A_473 = arith.maximumf %max3A_451, %get3A_457 : vector<16xf32>
    %get3A_474 = arith.constant 336 : index
    %get3A_475 = tpu.vector_load %arg8[%get3A_474] {strides = array<i32>} : memref<512xf32, #tpu.memory_space<vmem>>, vector<16xf32>,
    %get3A_476 = vector.shape_cast %get3A_475 : vector<16xf32> to vector<16xf32>
    %get3A_477 = arith.constant 336 : index
    %get3A_478 = tpu.vector_load %arg9[%get3A_477] {strides = array<i32>} : memref<512xf32, #tpu.memory_space<vmem>>, vector<16xf32>,
    %get3A_479 = vector.shape_cast %get3A_478 : vector<16xf32> to vector<16xf32>
    %get3A_480 = arith.constant 336 : index
    %get3A_481 = tpu.vector_load %arg10[%get3A_480] {strides = array<i32>} : memref<512xf32, #tpu.memory_space<vmem>>, vector<16xf32>,
    %get3A_482 = vector.shape_cast %get3A_481 : vector<16xf32> to vector<16xf32>
    %lt3A_483 = arith.cmpf olt, %get3A_476, %get3A_11 : vector<16xf32>
    %abs3A_484 = math.absf %get3A_482 : vector<16xf32>
    %mul3A_485 = arith.mulf %abs3A_484, %get3A_479 : vector<16xf32>
    %sub3A_486 = arith.subf %get3A_482, %get3A_6 : vector<16xf32>
    %abs3A_487 = math.absf %sub3A_486 : vector<16xf32>
    %sub3A_488 = arith.constant 1.000000e+00 : f32
    %sub3A_489 = vector.broadcast %sub3A_488 : f32 to vector<16xf32>
    %sub3A_490 = arith.subf %sub3A_489, %get3A_479 : vector<16xf32>
    %mul3A_491 = arith.mulf %abs3A_487, %sub3A_490 : vector<16xf32>
    %add3A_492 = arith.addf %mul3A_485, %mul3A_491 : vector<16xf32>
    %select_n3A_493 = arith.select %lt3A_483, %add3A_492, %broadcast_in_dim3A_16 : vector<16xi1>, vector<16xf32>
    %add3A_494 = arith.addf %add3A_472, %select_n3A_493 : vector<16xf32>
    %max3A_495 = arith.maximumf %max3A_473, %get3A_479 : vector<16xf32>
    %get3A_496 = arith.constant 352 : index
    %get3A_497 = tpu.vector_load %arg8[%get3A_496] {strides = array<i32>} : memref<512xf32, #tpu.memory_space<vmem>>, vector<16xf32>,
    %get3A_498 = vector.shape_cast %get3A_497 : vector<16xf32> to vector<16xf32>
    %get3A_499 = arith.constant 352 : index
    %get3A_500 = tpu.vector_load %arg9[%get3A_499] {strides = array<i32>} : memref<512xf32, #tpu.memory_space<vmem>>, vector<16xf32>,
    %get3A_501 = vector.shape_cast %get3A_500 : vector<16xf32> to vector<16xf32>
    %get3A_502 = arith.constant 352 : index
    %get3A_503 = tpu.vector_load %arg10[%get3A_502] {strides = array<i32>} : memref<512xf32, #tpu.memory_space<vmem>>, vector<16xf32>,
    %get3A_504 = vector.shape_cast %get3A_503 : vector<16xf32> to vector<16xf32>
    %lt3A_505 = arith.cmpf olt, %get3A_498, %get3A_11 : vector<16xf32>
    %abs3A_506 = math.absf %get3A_504 : vector<16xf32>
    %mul3A_507 = arith.mulf %abs3A_506, %get3A_501 : vector<16xf32>
    %sub3A_508 = arith.subf %get3A_504, %get3A_6 : vector<16xf32>
    %abs3A_509 = math.absf %sub3A_508 : vector<16xf32>
    %sub3A_510 = arith.constant 1.000000e+00 : f32
    %sub3A_511 = vector.broadcast %sub3A_510 : f32 to vector<16xf32>
    %sub3A_512 = arith.subf %sub3A_511, %get3A_501 : vector<16xf32>
    %mul3A_513 = arith.mulf %abs3A_509, %sub3A_512 : vector<16xf32>
    %add3A_514 = arith.addf %mul3A_507, %mul3A_513 : vector<16xf32>
    %select_n3A_515 = arith.select %lt3A_505, %add3A_514, %broadcast_in_dim3A_16 : vector<16xi1>, vector<16xf32>
    %add3A_516 = arith.addf %add3A_494, %select_n3A_515 : vector<16xf32>
    %max3A_517 = arith.maximumf %max3A_495, %get3A_501 : vector<16xf32>
    %get3A_518 = arith.constant 368 : index
    %get3A_519 = tpu.vector_load %arg8[%get3A_518] {strides = array<i32>} : memref<512xf32, #tpu.memory_space<vmem>>, vector<16xf32>,
    %get3A_520 = vector.shape_cast %get3A_519 : vector<16xf32> to vector<16xf32>
    %get3A_521 = arith.constant 368 : index
    %get3A_522 = tpu.vector_load %arg9[%get3A_521] {strides = array<i32>} : memref<512xf32, #tpu.memory_space<vmem>>, vector<16xf32>,
    %get3A_523 = vector.shape_cast %get3A_522 : vector<16xf32> to vector<16xf32>
    %get3A_524 = arith.constant 368 : index
    %get3A_525 = tpu.vector_load %arg10[%get3A_524] {strides = array<i32>} : memref<512xf32, #tpu.memory_space<vmem>>, vector<16xf32>,
    %get3A_526 = vector.shape_cast %get3A_525 : vector<16xf32> to vector<16xf32>
    %lt3A_527 = arith.cmpf olt, %get3A_520, %get3A_11 : vector<16xf32>
    %abs3A_528 = math.absf %get3A_526 : vector<16xf32>
    %mul3A_529 = arith.mulf %abs3A_528, %get3A_523 : vector<16xf32>
    %sub3A_530 = arith.subf %get3A_526, %get3A_6 : vector<16xf32>
    %abs3A_531 = math.absf %sub3A_530 : vector<16xf32>
    %sub3A_532 = arith.constant 1.000000e+00 : f32
    %sub3A_533 = vector.broadcast %sub3A_532 : f32 to vector<16xf32>
    %sub3A_534 = arith.subf %sub3A_533, %get3A_523 : vector<16xf32>
    %mul3A_535 = arith.mulf %abs3A_531, %sub3A_534 : vector<16xf32>
    %add3A_536 = arith.addf %mul3A_529, %mul3A_535 : vector<16xf32>
    %select_n3A_537 = arith.select %lt3A_527, %add3A_536, %broadcast_in_dim3A_16 : vector<16xi1>, vector<16xf32>
    %add3A_538 = arith.addf %add3A_516, %select_n3A_537 : vector<16xf32>
    %max3A_539 = arith.maximumf %max3A_517, %get3A_523 : vector<16xf32>
    %get3A_540 = arith.constant 384 : index
    %get3A_541 = tpu.vector_load %arg8[%get3A_540] {strides = array<i32>} : memref<512xf32, #tpu.memory_space<vmem>>, vector<16xf32>,
    %get3A_542 = vector.shape_cast %get3A_541 : vector<16xf32> to vector<16xf32>
    %get3A_543 = arith.constant 384 : index
    %get3A_544 = tpu.vector_load %arg9[%get3A_543] {strides = array<i32>} : memref<512xf32, #tpu.memory_space<vmem>>, vector<16xf32>,
    %get3A_545 = vector.shape_cast %get3A_544 : vector<16xf32> to vector<16xf32>
    %get3A_546 = arith.constant 384 : index
    %get3A_547 = tpu.vector_load %arg10[%get3A_546] {strides = array<i32>} : memref<512xf32, #tpu.memory_space<vmem>>, vector<16xf32>,
    %get3A_548 = vector.shape_cast %get3A_547 : vector<16xf32> to vector<16xf32>
    %lt3A_549 = arith.cmpf olt, %get3A_542, %get3A_11 : vector<16xf32>
    %abs3A_550 = math.absf %get3A_548 : vector<16xf32>
    %mul3A_551 = arith.mulf %abs3A_550, %get3A_545 : vector<16xf32>
    %sub3A_552 = arith.subf %get3A_548, %get3A_6 : vector<16xf32>
    %abs3A_553 = math.absf %sub3A_552 : vector<16xf32>
    %sub3A_554 = arith.constant 1.000000e+00 : f32
    %sub3A_555 = vector.broadcast %sub3A_554 : f32 to vector<16xf32>
    %sub3A_556 = arith.subf %sub3A_555, %get3A_545 : vector<16xf32>
    %mul3A_557 = arith.mulf %abs3A_553, %sub3A_556 : vector<16xf32>
    %add3A_558 = arith.addf %mul3A_551, %mul3A_557 : vector<16xf32>
    %select_n3A_559 = arith.select %lt3A_549, %add3A_558, %broadcast_in_dim3A_16 : vector<16xi1>, vector<16xf32>
    %add3A_560 = arith.addf %add3A_538, %select_n3A_559 : vector<16xf32>
    %max3A_561 = arith.maximumf %max3A_539, %get3A_545 : vector<16xf32>
    %get3A_562 = arith.constant 400 : index
    %get3A_563 = tpu.vector_load %arg8[%get3A_562] {strides = array<i32>} : memref<512xf32, #tpu.memory_space<vmem>>, vector<16xf32>,
    %get3A_564 = vector.shape_cast %get3A_563 : vector<16xf32> to vector<16xf32>
    %get3A_565 = arith.constant 400 : index
    %get3A_566 = tpu.vector_load %arg9[%get3A_565] {strides = array<i32>} : memref<512xf32, #tpu.memory_space<vmem>>, vector<16xf32>,
    %get3A_567 = vector.shape_cast %get3A_566 : vector<16xf32> to vector<16xf32>
    %get3A_568 = arith.constant 400 : index
    %get3A_569 = tpu.vector_load %arg10[%get3A_568] {strides = array<i32>} : memref<512xf32, #tpu.memory_space<vmem>>, vector<16xf32>,
    %get3A_570 = vector.shape_cast %get3A_569 : vector<16xf32> to vector<16xf32>
    %lt3A_571 = arith.cmpf olt, %get3A_564, %get3A_11 : vector<16xf32>
    %abs3A_572 = math.absf %get3A_570 : vector<16xf32>
    %mul3A_573 = arith.mulf %abs3A_572, %get3A_567 : vector<16xf32>
    %sub3A_574 = arith.subf %get3A_570, %get3A_6 : vector<16xf32>
    %abs3A_575 = math.absf %sub3A_574 : vector<16xf32>
    %sub3A_576 = arith.constant 1.000000e+00 : f32
    %sub3A_577 = vector.broadcast %sub3A_576 : f32 to vector<16xf32>
    %sub3A_578 = arith.subf %sub3A_577, %get3A_567 : vector<16xf32>
    %mul3A_579 = arith.mulf %abs3A_575, %sub3A_578 : vector<16xf32>
    %add3A_580 = arith.addf %mul3A_573, %mul3A_579 : vector<16xf32>
    %select_n3A_581 = arith.select %lt3A_571, %add3A_580, %broadcast_in_dim3A_16 : vector<16xi1>, vector<16xf32>
    %add3A_582 = arith.addf %add3A_560, %select_n3A_581 : vector<16xf32>
    %max3A_583 = arith.maximumf %max3A_561, %get3A_567 : vector<16xf32>
    %get3A_584 = arith.constant 416 : index
    %get3A_585 = tpu.vector_load %arg8[%get3A_584] {strides = array<i32>} : memref<512xf32, #tpu.memory_space<vmem>>, vector<16xf32>,
    %get3A_586 = vector.shape_cast %get3A_585 : vector<16xf32> to vector<16xf32>
    %get3A_587 = arith.constant 416 : index
    %get3A_588 = tpu.vector_load %arg9[%get3A_587] {strides = array<i32>} : memref<512xf32, #tpu.memory_space<vmem>>, vector<16xf32>,
    %get3A_589 = vector.shape_cast %get3A_588 : vector<16xf32> to vector<16xf32>
    %get3A_590 = arith.constant 416 : index
    %get3A_591 = tpu.vector_load %arg10[%get3A_590] {strides = array<i32>} : memref<512xf32, #tpu.memory_space<vmem>>, vector<16xf32>,
    %get3A_592 = vector.shape_cast %get3A_591 : vector<16xf32> to vector<16xf32>
    %lt3A_593 = arith.cmpf olt, %get3A_586, %get3A_11 : vector<16xf32>
    %abs3A_594 = math.absf %get3A_592 : vector<16xf32>
    %mul3A_595 = arith.mulf %abs3A_594, %get3A_589 : vector<16xf32>
    %sub3A_596 = arith.subf %get3A_592, %get3A_6 : vector<16xf32>
    %abs3A_597 = math.absf %sub3A_596 : vector<16xf32>
    %sub3A_598 = arith.constant 1.000000e+00 : f32
    %sub3A_599 = vector.broadcast %sub3A_598 : f32 to vector<16xf32>
    %sub3A_600 = arith.subf %sub3A_599, %get3A_589 : vector<16xf32>
    %mul3A_601 = arith.mulf %abs3A_597, %sub3A_600 : vector<16xf32>
    %add3A_602 = arith.addf %mul3A_595, %mul3A_601 : vector<16xf32>
    %select_n3A_603 = arith.select %lt3A_593, %add3A_602, %broadcast_in_dim3A_16 : vector<16xi1>, vector<16xf32>
    %add3A_604 = arith.addf %add3A_582, %select_n3A_603 : vector<16xf32>
    %max3A_605 = arith.maximumf %max3A_583, %get3A_589 : vector<16xf32>
    %get3A_606 = arith.constant 432 : index
    %get3A_607 = tpu.vector_load %arg8[%get3A_606] {strides = array<i32>} : memref<512xf32, #tpu.memory_space<vmem>>, vector<16xf32>,
    %get3A_608 = vector.shape_cast %get3A_607 : vector<16xf32> to vector<16xf32>
    %get3A_609 = arith.constant 432 : index
    %get3A_610 = tpu.vector_load %arg9[%get3A_609] {strides = array<i32>} : memref<512xf32, #tpu.memory_space<vmem>>, vector<16xf32>,
    %get3A_611 = vector.shape_cast %get3A_610 : vector<16xf32> to vector<16xf32>
    %get3A_612 = arith.constant 432 : index
    %get3A_613 = tpu.vector_load %arg10[%get3A_612] {strides = array<i32>} : memref<512xf32, #tpu.memory_space<vmem>>, vector<16xf32>,
    %get3A_614 = vector.shape_cast %get3A_613 : vector<16xf32> to vector<16xf32>
    %lt3A_615 = arith.cmpf olt, %get3A_608, %get3A_11 : vector<16xf32>
    %abs3A_616 = math.absf %get3A_614 : vector<16xf32>
    %mul3A_617 = arith.mulf %abs3A_616, %get3A_611 : vector<16xf32>
    %sub3A_618 = arith.subf %get3A_614, %get3A_6 : vector<16xf32>
    %abs3A_619 = math.absf %sub3A_618 : vector<16xf32>
    %sub3A_620 = arith.constant 1.000000e+00 : f32
    %sub3A_621 = vector.broadcast %sub3A_620 : f32 to vector<16xf32>
    %sub3A_622 = arith.subf %sub3A_621, %get3A_611 : vector<16xf32>
    %mul3A_623 = arith.mulf %abs3A_619, %sub3A_622 : vector<16xf32>
    %add3A_624 = arith.addf %mul3A_617, %mul3A_623 : vector<16xf32>
    %select_n3A_625 = arith.select %lt3A_615, %add3A_624, %broadcast_in_dim3A_16 : vector<16xi1>, vector<16xf32>
    %add3A_626 = arith.addf %add3A_604, %select_n3A_625 : vector<16xf32>
    %max3A_627 = arith.maximumf %max3A_605, %get3A_611 : vector<16xf32>
    %get3A_628 = arith.constant 448 : index
    %get3A_629 = tpu.vector_load %arg8[%get3A_628] {strides = array<i32>} : memref<512xf32, #tpu.memory_space<vmem>>, vector<16xf32>,
    %get3A_630 = vector.shape_cast %get3A_629 : vector<16xf32> to vector<16xf32>
    %get3A_631 = arith.constant 448 : index
    %get3A_632 = tpu.vector_load %arg9[%get3A_631] {strides = array<i32>} : memref<512xf32, #tpu.memory_space<vmem>>, vector<16xf32>,
    %get3A_633 = vector.shape_cast %get3A_632 : vector<16xf32> to vector<16xf32>
    %get3A_634 = arith.constant 448 : index
    %get3A_635 = tpu.vector_load %arg10[%get3A_634] {strides = array<i32>} : memref<512xf32, #tpu.memory_space<vmem>>, vector<16xf32>,
    %get3A_636 = vector.shape_cast %get3A_635 : vector<16xf32> to vector<16xf32>
    %lt3A_637 = arith.cmpf olt, %get3A_630, %get3A_11 : vector<16xf32>
    %abs3A_638 = math.absf %get3A_636 : vector<16xf32>
    %mul3A_639 = arith.mulf %abs3A_638, %get3A_633 : vector<16xf32>
    %sub3A_640 = arith.subf %get3A_636, %get3A_6 : vector<16xf32>
    %abs3A_641 = math.absf %sub3A_640 : vector<16xf32>
    %sub3A_642 = arith.constant 1.000000e+00 : f32
    %sub3A_643 = vector.broadcast %sub3A_642 : f32 to vector<16xf32>
    %sub3A_644 = arith.subf %sub3A_643, %get3A_633 : vector<16xf32>
    %mul3A_645 = arith.mulf %abs3A_641, %sub3A_644 : vector<16xf32>
    %add3A_646 = arith.addf %mul3A_639, %mul3A_645 : vector<16xf32>
    %select_n3A_647 = arith.select %lt3A_637, %add3A_646, %broadcast_in_dim3A_16 : vector<16xi1>, vector<16xf32>
    %add3A_648 = arith.addf %add3A_626, %select_n3A_647 : vector<16xf32>
    %max3A_649 = arith.maximumf %max3A_627, %get3A_633 : vector<16xf32>
    %get3A_650 = arith.constant 464 : index
    %get3A_651 = tpu.vector_load %arg8[%get3A_650] {strides = array<i32>} : memref<512xf32, #tpu.memory_space<vmem>>, vector<16xf32>,
    %get3A_652 = vector.shape_cast %get3A_651 : vector<16xf32> to vector<16xf32>
    %get3A_653 = arith.constant 464 : index
    %get3A_654 = tpu.vector_load %arg9[%get3A_653] {strides = array<i32>} : memref<512xf32, #tpu.memory_space<vmem>>, vector<16xf32>,
    %get3A_655 = vector.shape_cast %get3A_654 : vector<16xf32> to vector<16xf32>
    %get3A_656 = arith.constant 464 : index
    %get3A_657 = tpu.vector_load %arg10[%get3A_656] {strides = array<i32>} : memref<512xf32, #tpu.memory_space<vmem>>, vector<16xf32>,
    %get3A_658 = vector.shape_cast %get3A_657 : vector<16xf32> to vector<16xf32>
    %lt3A_659 = arith.cmpf olt, %get3A_652, %get3A_11 : vector<16xf32>
    %abs3A_660 = math.absf %get3A_658 : vector<16xf32>
    %mul3A_661 = arith.mulf %abs3A_660, %get3A_655 : vector<16xf32>
    %sub3A_662 = arith.subf %get3A_658, %get3A_6 : vector<16xf32>
    %abs3A_663 = math.absf %sub3A_662 : vector<16xf32>
    %sub3A_664 = arith.constant 1.000000e+00 : f32
    %sub3A_665 = vector.broadcast %sub3A_664 : f32 to vector<16xf32>
    %sub3A_666 = arith.subf %sub3A_665, %get3A_655 : vector<16xf32>
    %mul3A_667 = arith.mulf %abs3A_663, %sub3A_666 : vector<16xf32>
    %add3A_668 = arith.addf %mul3A_661, %mul3A_667 : vector<16xf32>
    %select_n3A_669 = arith.select %lt3A_659, %add3A_668, %broadcast_in_dim3A_16 : vector<16xi1>, vector<16xf32>
    %add3A_670 = arith.addf %add3A_648, %select_n3A_669 : vector<16xf32>
    %max3A_671 = arith.maximumf %max3A_649, %get3A_655 : vector<16xf32>
    %get3A_672 = arith.constant 480 : index
    %get3A_673 = tpu.vector_load %arg8[%get3A_672] {strides = array<i32>} : memref<512xf32, #tpu.memory_space<vmem>>, vector<16xf32>,
    %get3A_674 = vector.shape_cast %get3A_673 : vector<16xf32> to vector<16xf32>
    %get3A_675 = arith.constant 480 : index
    %get3A_676 = tpu.vector_load %arg9[%get3A_675] {strides = array<i32>} : memref<512xf32, #tpu.memory_space<vmem>>, vector<16xf32>,
    %get3A_677 = vector.shape_cast %get3A_676 : vector<16xf32> to vector<16xf32>
    %get3A_678 = arith.constant 480 : index
    %get3A_679 = tpu.vector_load %arg10[%get3A_678] {strides = array<i32>} : memref<512xf32, #tpu.memory_space<vmem>>, vector<16xf32>,
    %get3A_680 = vector.shape_cast %get3A_679 : vector<16xf32> to vector<16xf32>
    %lt3A_681 = arith.cmpf olt, %get3A_674, %get3A_11 : vector<16xf32>
    %abs3A_682 = math.absf %get3A_680 : vector<16xf32>
    %mul3A_683 = arith.mulf %abs3A_682, %get3A_677 : vector<16xf32>
    %sub3A_684 = arith.subf %get3A_680, %get3A_6 : vector<16xf32>
    %abs3A_685 = math.absf %sub3A_684 : vector<16xf32>
    %sub3A_686 = arith.constant 1.000000e+00 : f32
    %sub3A_687 = vector.broadcast %sub3A_686 : f32 to vector<16xf32>
    %sub3A_688 = arith.subf %sub3A_687, %get3A_677 : vector<16xf32>
    %mul3A_689 = arith.mulf %abs3A_685, %sub3A_688 : vector<16xf32>
    %add3A_690 = arith.addf %mul3A_683, %mul3A_689 : vector<16xf32>
    %select_n3A_691 = arith.select %lt3A_681, %add3A_690, %broadcast_in_dim3A_16 : vector<16xi1>, vector<16xf32>
    %add3A_692 = arith.addf %add3A_670, %select_n3A_691 : vector<16xf32>
    %max3A_693 = arith.maximumf %max3A_671, %get3A_677 : vector<16xf32>
    %get3A_694 = arith.constant 496 : index
    %get3A_695 = tpu.vector_load %arg8[%get3A_694] {strides = array<i32>} : memref<512xf32, #tpu.memory_space<vmem>>, vector<16xf32>,
    %get3A_696 = vector.shape_cast %get3A_695 : vector<16xf32> to vector<16xf32>
    %get3A_697 = arith.constant 496 : index
    %get3A_698 = tpu.vector_load %arg9[%get3A_697] {strides = array<i32>} : memref<512xf32, #tpu.memory_space<vmem>>, vector<16xf32>,
    %get3A_699 = vector.shape_cast %get3A_698 : vector<16xf32> to vector<16xf32>
    %get3A_700 = arith.constant 496 : index
    %get3A_701 = tpu.vector_load %arg10[%get3A_700] {strides = array<i32>} : memref<512xf32, #tpu.memory_space<vmem>>, vector<16xf32>,
    %get3A_702 = vector.shape_cast %get3A_701 : vector<16xf32> to vector<16xf32>
    %lt3A_703 = arith.cmpf olt, %get3A_696, %get3A_11 : vector<16xf32>
    %abs3A_704 = math.absf %get3A_702 : vector<16xf32>
    %mul3A_705 = arith.mulf %abs3A_704, %get3A_699 : vector<16xf32>
    %sub3A_706 = arith.subf %get3A_702, %get3A_6 : vector<16xf32>
    %abs3A_707 = math.absf %sub3A_706 : vector<16xf32>
    %sub3A_708 = arith.constant 1.000000e+00 : f32
    %sub3A_709 = vector.broadcast %sub3A_708 : f32 to vector<16xf32>
    %sub3A_710 = arith.subf %sub3A_709, %get3A_699 : vector<16xf32>
    %mul3A_711 = arith.mulf %abs3A_707, %sub3A_710 : vector<16xf32>
    %add3A_712 = arith.addf %mul3A_705, %mul3A_711 : vector<16xf32>
    %select_n3A_713 = arith.select %lt3A_703, %add3A_712, %broadcast_in_dim3A_16 : vector<16xi1>, vector<16xf32>
    %add3A_714 = arith.addf %add3A_692, %select_n3A_713 : vector<16xf32>
    %max3A_715 = arith.maximumf %max3A_693, %get3A_699 : vector<16xf32>
    %swap3A = arith.constant 0 : index
    %swap3A_716 = tpu.vector_load %arg12[%swap3A] {strides = array<i32>} : memref<16xf32, #tpu.memory_space<vmem>>, vector<16xf32>,
    %swap3A_717 = vector.shape_cast %swap3A_716 : vector<16xf32> to vector<16xf32>
    %swap3A_718 = vector.shape_cast %add3A_714 : vector<16xf32> to vector<16xf32>
    tpu.vector_store %arg12[%swap3A], %swap3A_718 {strides = array<i32>} : memref<16xf32, #tpu.memory_space<vmem>>, vector<16xf32>,
    %swap3A_719 = arith.constant 0 : index
    %swap3A_720 = tpu.vector_load %arg13[%swap3A_719] {strides = array<i32>} : memref<16xf32, #tpu.memory_space<vmem>>, vector<16xf32>,
    %swap3A_721 = vector.shape_cast %swap3A_720 : vector<16xf32> to vector<16xf32>
    %swap3A_722 = vector.shape_cast %max3A_715 : vector<16xf32> to vector<16xf32>
    tpu.vector_store %arg13[%swap3A_719], %swap3A_722 {strides = array<i32>} : memref<16xf32, #tpu.memory_space<vmem>>, vector<16xf32>,
    "tpu.region"() ({
      %run_scoped3A = tpu.sem_alloc : memref<!tpu.dma_semaphore, #tpu.memory_space<semaphore_mem>>
      %dma_start3A = arith.constant 0 : i32
      %dma_start3A_723 = tpu.memref_slice %arg6[%add3A, %dma_start3A] : memref<32x16xf32, #tpu.memory_space<hbm>> -> memref<1x16xf32, #tpu.memory_space<hbm>>
      %dma_start3A_724 = tpu.memref_squeeze %dma_start3A_723 : memref<1x16xf32, #tpu.memory_space<hbm>> -> memref<16xf32, #tpu.memory_space<hbm>>
      %dma_start3A_725 = arith.constant 0 : i32
      %dma_start3A_726 = tpu.memref_slice %arg6[%add3A, %dma_start3A_725] : memref<32x16xf32, #tpu.memory_space<hbm>> -> memref<1x16xf32, #tpu.memory_space<hbm>>
      %dma_start3A_727 = tpu.memref_squeeze %dma_start3A_726 : memref<1x16xf32, #tpu.memory_space<hbm>> -> memref<16xf32, #tpu.memory_space<hbm>>
      tpu.enqueue_dma source(%arg12 : memref<16xf32, #tpu.memory_space<vmem>>) target(%dma_start3A_727 : memref<16xf32, #tpu.memory_space<hbm>>) target_semaphore(%run_scoped3A : memref<!tpu.dma_semaphore, #tpu.memory_space<semaphore_mem>>)
      %dma_wait3A = arith.constant 0 : i32
      %dma_wait3A_728 = tpu.memref_slice %arg6[%add3A, %dma_wait3A] : memref<32x16xf32, #tpu.memory_space<hbm>> -> memref<1x16xf32, #tpu.memory_space<hbm>>
      %dma_wait3A_729 = tpu.memref_squeeze %dma_wait3A_728 : memref<1x16xf32, #tpu.memory_space<hbm>> -> memref<16xf32, #tpu.memory_space<hbm>>
      %dma_wait3A_730 = arith.constant 0 : i32
      %dma_wait3A_731 = tpu.memref_slice %arg6[%add3A, %dma_wait3A_730] : memref<32x16xf32, #tpu.memory_space<hbm>> -> memref<1x16xf32, #tpu.memory_space<hbm>>
      %dma_wait3A_732 = tpu.memref_squeeze %dma_wait3A_731 : memref<1x16xf32, #tpu.memory_space<hbm>> -> memref<16xf32, #tpu.memory_space<hbm>>
      tpu.wait_dma2 semaphore(%run_scoped3A : memref<!tpu.dma_semaphore, #tpu.memory_space<semaphore_mem>>) src(%arg12 : memref<16xf32, #tpu.memory_space<vmem>>) dst(%dma_wait3A_732 : memref<16xf32, #tpu.memory_space<hbm>>)
      tpu.yield
    }) : () -> ()
    "tpu.region"() ({
      %run_scoped3A = tpu.sem_alloc : memref<!tpu.dma_semaphore, #tpu.memory_space<semaphore_mem>>
      %dma_start3A = arith.constant 0 : i32
      %dma_start3A_723 = tpu.memref_slice %arg7[%add3A, %dma_start3A] : memref<32x16xf32, #tpu.memory_space<hbm>> -> memref<1x16xf32, #tpu.memory_space<hbm>>
      %dma_start3A_724 = tpu.memref_squeeze %dma_start3A_723 : memref<1x16xf32, #tpu.memory_space<hbm>> -> memref<16xf32, #tpu.memory_space<hbm>>
      %dma_start3A_725 = arith.constant 0 : i32
      %dma_start3A_726 = tpu.memref_slice %arg7[%add3A, %dma_start3A_725] : memref<32x16xf32, #tpu.memory_space<hbm>> -> memref<1x16xf32, #tpu.memory_space<hbm>>
      %dma_start3A_727 = tpu.memref_squeeze %dma_start3A_726 : memref<1x16xf32, #tpu.memory_space<hbm>> -> memref<16xf32, #tpu.memory_space<hbm>>
      tpu.enqueue_dma source(%arg13 : memref<16xf32, #tpu.memory_space<vmem>>) target(%dma_start3A_727 : memref<16xf32, #tpu.memory_space<hbm>>) target_semaphore(%run_scoped3A : memref<!tpu.dma_semaphore, #tpu.memory_space<semaphore_mem>>)
      %dma_wait3A = arith.constant 0 : i32
      %dma_wait3A_728 = tpu.memref_slice %arg7[%add3A, %dma_wait3A] : memref<32x16xf32, #tpu.memory_space<hbm>> -> memref<1x16xf32, #tpu.memory_space<hbm>>
      %dma_wait3A_729 = tpu.memref_squeeze %dma_wait3A_728 : memref<1x16xf32, #tpu.memory_space<hbm>> -> memref<16xf32, #tpu.memory_space<hbm>>
      %dma_wait3A_730 = arith.constant 0 : i32
      %dma_wait3A_731 = tpu.memref_slice %arg7[%add3A, %dma_wait3A_730] : memref<32x16xf32, #tpu.memory_space<hbm>> -> memref<1x16xf32, #tpu.memory_space<hbm>>
      %dma_wait3A_732 = tpu.memref_squeeze %dma_wait3A_731 : memref<1x16xf32, #tpu.memory_space<hbm>> -> memref<16xf32, #tpu.memory_space<hbm>>
      tpu.wait_dma2 semaphore(%run_scoped3A : memref<!tpu.dma_semaphore, #tpu.memory_space<semaphore_mem>>) src(%arg13 : memref<16xf32, #tpu.memory_space<vmem>>) dst(%dma_wait3A_732 : memref<16xf32, #tpu.memory_space<hbm>>)
      tpu.yield
    }) : () -> ()
    return
  }
}

module attributes {stable_mosaic.version = 14 : i64} {
  func.func @_dist_hit_body(%arg0: i32, %arg1: memref<1x128xf32, #tpu.memory_space<vmem>>, %arg2: memref<1x3x4096xf32, #tpu.memory_space<vmem>>, %arg3: memref<1x7168x5xf32, #tpu.memory_space<vmem>>, %arg4: memref<1x1x4096xf32, #tpu.memory_space<vmem>>, %arg5: memref<1x1x4096xf32, #tpu.memory_space<vmem>>) attributes {dimension_semantics = [#tpu.dimension_semantics<arbitrary>], iteration_bounds = array<i64: 4>, scalar_prefetch = 0 : i64, scratch_operands = 0 : i64, tpu.core_type = #tpu.core_type<tc>, window_params = [{pipeline_mode = #tpu.pipeline_mode<synchronous>, transform_indices = @transform_0, window_bounds = array<i64: 1, 128>}, {transform_indices = @transform_1, window_bounds = array<i64: 1, 3, 4096>}, {transform_indices = @transform_2, window_bounds = array<i64: 1, 7168, 5>}, {transform_indices = @transform_3, window_bounds = array<i64: 1, 1, 4096>}, {transform_indices = @transform_4, window_bounds = array<i64: 1, 1, 4096>}]} {
    %get3A = arith.constant 0 : index
    %get3A_0 = arith.constant 0 : index
    %get3A_1 = arith.constant 0 : index
    %get3A_2 = vector.load %arg2[%get3A, %get3A_0, %get3A_1] : memref<1x3x4096xf32, #tpu.memory_space<vmem>>, vector<1x1x4096xf32>
    %get3A_3 = vector.shape_cast %get3A_2 : vector<1x1x4096xf32> to vector<1x4096xf32>
    %convert_element_type3A = arith.truncf %get3A_3 : vector<1x4096xf32> to vector<1x4096xbf16>
    %get3A_4 = arith.constant 0 : index
    %get3A_5 = arith.constant 1 : index
    %get3A_6 = arith.constant 0 : index
    %get3A_7 = vector.load %arg2[%get3A_4, %get3A_5, %get3A_6] : memref<1x3x4096xf32, #tpu.memory_space<vmem>>, vector<1x1x4096xf32>
    %get3A_8 = vector.shape_cast %get3A_7 : vector<1x1x4096xf32> to vector<1x4096xf32>
    %convert_element_type3A_9 = arith.truncf %get3A_8 : vector<1x4096xf32> to vector<1x4096xbf16>
    %get3A_10 = arith.constant 0 : index
    %get3A_11 = arith.constant 2 : index
    %get3A_12 = arith.constant 0 : index
    %get3A_13 = vector.load %arg2[%get3A_10, %get3A_11, %get3A_12] : memref<1x3x4096xf32, #tpu.memory_space<vmem>>, vector<1x1x4096xf32>
    %get3A_14 = vector.shape_cast %get3A_13 : vector<1x1x4096xf32> to vector<1x4096xf32>
    %convert_element_type3A_15 = arith.truncf %get3A_14 : vector<1x4096xf32> to vector<1x4096xbf16>
    %get3A_16 = arith.constant 0 : index
    %get3A_17 = arith.constant 2 : index
    %get3A_18 = vector.load %arg1[%get3A_16, %get3A_17] : memref<1x128xf32, #tpu.memory_space<vmem>>, vector<1x1xf32>
    %get3A_19 = arith.constant 0 : index
    %get3A_20 = arith.constant 3 : index
    %get3A_21 = vector.load %arg1[%get3A_19, %get3A_20] : memref<1x128xf32, #tpu.memory_space<vmem>>, vector<1x1xf32>
    %broadcast_in_dim3A = arith.constant 3.389530e+38 : bf16
    %broadcast_in_dim3A_22 = vector.broadcast %broadcast_in_dim3A : bf16 to vector<1x4096xbf16>
    %broadcast_in_dim3A_23 = arith.constant 0.000000e+00 : bf16
    %broadcast_in_dim3A_24 = vector.broadcast %broadcast_in_dim3A_23 : bf16 to vector<1x4096xbf16>
    %scan3A = arith.constant 2.502440e-03 : bf16
    %scan3A_25 = arith.constant 1.001390e+08 : bf16
    %scan3A_26 = arith.constant 1.000000e+00 : bf16
    %scan3A_27 = arith.constant 0 : i32
    %scan3A_28 = arith.constant 14 : i32
    %scan3A_29 = arith.addi %scan3A_27, %scan3A_28 : i32
    %scan3A_30 = arith.constant 1 : i32
    %scan3A_31:2 = scf.for %scan3A_44 = %scan3A_27 to %scan3A_29 step %scan3A_30 iter_args(%scan3A_45 = %broadcast_in_dim3A_22, %scan3A_46 = %broadcast_in_dim3A_24) -> (vector<1x4096xbf16>, vector<1x4096xbf16>)  : i32 {
      %mul3A = arith.constant 512 : i32
      %mul3A_47 = arith.muli %scan3A_44, %mul3A : i32
      %get3A_48 = arith.constant 0 : index
      %get3A_49 = arith.index_cast %mul3A_47 : i32 to index
      %get3A_50 = arith.constant 0 : index
      %get3A_51 = vector.load %arg3[%get3A_48, %get3A_49, %get3A_50] : memref<1x7168x5xf32, #tpu.memory_space<vmem>>, vector<1x512x3xf32>
      %get3A_52 = vector.shape_cast %get3A_51 : vector<1x512x3xf32> to vector<512x3xf32>
      %get3A_53 = arith.constant 0 : index
      %get3A_54 = arith.index_cast %mul3A_47 : i32 to index
      %get3A_55 = arith.constant 3 : index
      %get3A_56 = vector.load %arg3[%get3A_53, %get3A_54, %get3A_55] : memref<1x7168x5xf32, #tpu.memory_space<vmem>>, vector<1x512x1xf32>
      %get3A_57 = vector.shape_cast %get3A_56 : vector<1x512x1xf32> to vector<512x1xf32>
      %get3A_58 = arith.constant 0 : index
      %get3A_59 = arith.index_cast %mul3A_47 : i32 to index
      %get3A_60 = arith.constant 4 : index
      %get3A_61 = vector.load %arg3[%get3A_58, %get3A_59, %get3A_60] : memref<1x7168x5xf32, #tpu.memory_space<vmem>>, vector<1x512x1xf32>
      %get3A_62 = vector.shape_cast %get3A_61 : vector<1x512x1xf32> to vector<512x1xf32>
      %gt3A = arith.constant 0.000000e+00 : f32
      %gt3A_63 = vector.broadcast %gt3A : f32 to vector<512x1xf32>
      %gt3A_64 = arith.cmpf ogt, %get3A_62, %gt3A_63 : vector<512x1xf32>
      %jit3A = arith.constant 9.99999984E+17 : f32
      %broadcast_in_dim3A_65 = vector.shape_cast %gt3A_64 : vector<512x1xi1> to vector<512x1xi1>
      %broadcast_in_dim3A_66 = vector.broadcast %broadcast_in_dim3A_65 : vector<512x1xi1> to vector<512x3xi1>
      %broadcast_in_dim3A_67 = vector.broadcast %jit3A : f32 to vector<512x3xf32>
      %select_n3A = arith.select %broadcast_in_dim3A_66, %get3A_52, %broadcast_in_dim3A_67 : vector<512x3xi1>, vector<512x3xf32>
      %convert_element_type3A_68 = arith.truncf %select_n3A : vector<512x3xf32> to vector<512x3xbf16>
      %eq3A = vector.broadcast %get3A_18 : vector<1x1xf32> to vector<512x1xf32>
      %eq3A_69 = arith.cmpf oeq, %get3A_57, %eq3A : vector<512x1xf32>
      %eq3A_70 = vector.broadcast %get3A_21 : vector<1x1xf32> to vector<512x1xf32>
      %eq3A_71 = arith.cmpf oeq, %get3A_57, %eq3A_70 : vector<512x1xf32>
      %or3A = arith.ori %eq3A_69, %eq3A_71 : vector<512x1xi1>
      %convert_element_type3A_72 = arith.extui %or3A : vector<512x1xi1> to vector<512x1xi32>
      %convert_element_type3A_73 = arith.sitofp %convert_element_type3A_72 : vector<512x1xi32> to vector<512x1xf32>
      %convert_element_type3A_74 = arith.truncf %convert_element_type3A_73 : vector<512x1xf32> to vector<512x1xbf16>
      %slice3A = vector.extract_strided_slice %convert_element_type3A_68 {offsets = [0, 0], sizes = [512, 1], strides = [1, 1]} : vector<512x3xbf16> to vector<512x1xbf16>
      %sub3A = vector.broadcast %slice3A : vector<512x1xbf16> to vector<512x4096xbf16>
      %sub3A_75 = vector.broadcast %convert_element_type3A : vector<1x4096xbf16> to vector<512x4096xbf16>
      %sub3A_76 = arith.subf %sub3A, %sub3A_75 : vector<512x4096xbf16>
      %slice3A_77 = vector.extract_strided_slice %convert_element_type3A_68 {offsets = [0, 1], sizes = [512, 1], strides = [1, 1]} : vector<512x3xbf16> to vector<512x1xbf16>
      %sub3A_78 = vector.broadcast %slice3A_77 : vector<512x1xbf16> to vector<512x4096xbf16>
      %sub3A_79 = vector.broadcast %convert_element_type3A_9 : vector<1x4096xbf16> to vector<512x4096xbf16>
      %sub3A_80 = arith.subf %sub3A_78, %sub3A_79 : vector<512x4096xbf16>
      %slice3A_81 = vector.extract_strided_slice %convert_element_type3A_68 {offsets = [0, 2], sizes = [512, 1], strides = [1, 1]} : vector<512x3xbf16> to vector<512x1xbf16>
      %sub3A_82 = vector.broadcast %slice3A_81 : vector<512x1xbf16> to vector<512x4096xbf16>
      %sub3A_83 = vector.broadcast %convert_element_type3A_15 : vector<1x4096xbf16> to vector<512x4096xbf16>
      %sub3A_84 = arith.subf %sub3A_82, %sub3A_83 : vector<512x4096xbf16>
      %mul3A_85 = arith.mulf %sub3A_76, %sub3A_76 : vector<512x4096xbf16>
      %mul3A_86 = arith.mulf %sub3A_80, %sub3A_80 : vector<512x4096xbf16>
      %add3A = arith.addf %mul3A_85, %mul3A_86 : vector<512x4096xbf16>
      %mul3A_87 = arith.mulf %sub3A_84, %sub3A_84 : vector<512x4096xbf16>
      %add3A_88 = arith.addf %add3A, %mul3A_87 : vector<512x4096xbf16>
      %lt3A = vector.broadcast %scan3A : bf16 to vector<512x4096xbf16>
      %lt3A_89 = arith.cmpf olt, %add3A_88, %lt3A : vector<512x4096xbf16>
      %broadcast_in_dim3A_90 = vector.broadcast %scan3A_25 : bf16 to vector<512x4096xbf16>
      %select_n3A_91 = arith.select %lt3A_89, %broadcast_in_dim3A_90, %add3A_88 : vector<512x4096xi1>, vector<512x4096xbf16>
      %reduce_min3A = arith.constant dense<0x7F80> : vector<4096xbf16>
      %reduce_min3A_92 = vector.multi_reduction <minimumf>, %select_n3A_91, %reduce_min3A [0] : vector<512x4096xbf16> to vector<4096xbf16>
      %broadcast_in_dim3A_93 = vector.shape_cast %reduce_min3A_92 : vector<4096xbf16> to vector<1x4096xbf16>
      %eq3A_94 = vector.broadcast %broadcast_in_dim3A_93 : vector<1x4096xbf16> to vector<512x4096xbf16>
      %eq3A_95 = arith.cmpf oeq, %select_n3A_91, %eq3A_94 : vector<512x4096xbf16>
      %broadcast_in_dim3A_96 = vector.shape_cast %convert_element_type3A_74 : vector<512x1xbf16> to vector<512x1xbf16>
      %broadcast_in_dim3A_97 = vector.broadcast %broadcast_in_dim3A_96 : vector<512x1xbf16> to vector<512x4096xbf16>
      %broadcast_in_dim3A_98 = vector.broadcast %scan3A_26 : bf16 to vector<512x4096xbf16>
      %select_n3A_99 = arith.select %eq3A_95, %broadcast_in_dim3A_97, %broadcast_in_dim3A_98 : vector<512x4096xi1>, vector<512x4096xbf16>
      %reduce_min3A_100 = arith.constant dense<0x7F80> : vector<4096xbf16>
      %reduce_min3A_101 = vector.multi_reduction <minimumf>, %select_n3A_99, %reduce_min3A_100 [0] : vector<512x4096xbf16> to vector<4096xbf16>
      %broadcast_in_dim3A_102 = vector.shape_cast %reduce_min3A_101 : vector<4096xbf16> to vector<1x4096xbf16>
      %lt3A_103 = arith.cmpf olt, %broadcast_in_dim3A_93, %scan3A_45 : vector<1x4096xbf16>
      %min3A = arith.minimumf %scan3A_45, %broadcast_in_dim3A_93 : vector<1x4096xbf16>
      %select_n3A_104 = arith.select %lt3A_103, %broadcast_in_dim3A_102, %scan3A_46 : vector<1x4096xi1>, vector<1x4096xbf16>
      scf.yield %min3A, %select_n3A_104 : vector<1x4096xbf16>, vector<1x4096xbf16>
    }
    %scan3A_32 = arith.constant 14 : i32
    %convert_element_type3A_33 = arith.extf %scan3A_31#0 : vector<1x4096xbf16> to vector<1x4096xf32>
    %broadcast_in_dim3A_34 = vector.shape_cast %convert_element_type3A_33 : vector<1x4096xf32> to vector<1x1x4096xf32>
    %swap3A = arith.constant 0 : index
    %swap3A_35 = arith.constant 0 : index
    %swap3A_36 = arith.constant 0 : index
    %swap3A_37 = vector.load %arg4[%swap3A, %swap3A_35, %swap3A_36] : memref<1x1x4096xf32, #tpu.memory_space<vmem>>, vector<1x1x4096xf32>
    tpu.vector_store %arg4[%swap3A, %swap3A_35, %swap3A_36], %broadcast_in_dim3A_34 {strides = array<i32>} : memref<1x1x4096xf32, #tpu.memory_space<vmem>>, vector<1x1x4096xf32>,
    %convert_element_type3A_38 = arith.extf %scan3A_31#1 : vector<1x4096xbf16> to vector<1x4096xf32>
    %broadcast_in_dim3A_39 = vector.shape_cast %convert_element_type3A_38 : vector<1x4096xf32> to vector<1x1x4096xf32>
    %swap3A_40 = arith.constant 0 : index
    %swap3A_41 = arith.constant 0 : index
    %swap3A_42 = arith.constant 0 : index
    %swap3A_43 = vector.load %arg5[%swap3A_40, %swap3A_41, %swap3A_42] : memref<1x1x4096xf32, #tpu.memory_space<vmem>>, vector<1x1x4096xf32>
    tpu.vector_store %arg5[%swap3A_40, %swap3A_41, %swap3A_42], %broadcast_in_dim3A_39 {strides = array<i32>} : memref<1x1x4096xf32, #tpu.memory_space<vmem>>, vector<1x1x4096xf32>,
    return
  }
  func.func @transform_0(%arg0: i32) -> (i32, i32) {
    %c0_i32 = arith.constant 0 : i32
    %c0_i32_0 = arith.constant 0 : i32
    %c0_i32_1 = arith.constant 0 : i32
    return %c0_i32, %c0_i32_0 : i32, i32
  }
  func.func @transform_1(%arg0: i32) -> (i32, i32, i32) {
    %c0_i32 = arith.constant 0 : i32
    %c0_i32_0 = arith.constant 0 : i32
    %c0_i32_1 = arith.constant 0 : i32
    return %arg0, %c0_i32, %c0_i32_0 : i32, i32, i32
  }
  func.func @transform_2(%arg0: i32) -> (i32, i32, i32) {
    %c0_i32 = arith.constant 0 : i32
    %c0_i32_0 = arith.constant 0 : i32
    %c0_i32_1 = arith.constant 0 : i32
    return %arg0, %c0_i32, %c0_i32_0 : i32, i32, i32
  }
  func.func @transform_3(%arg0: i32) -> (i32, i32, i32) {
    %c0_i32 = arith.constant 0 : i32
    %c0_i32_0 = arith.constant 0 : i32
    %c0_i32_1 = arith.constant 0 : i32
    return %arg0, %c0_i32, %c0_i32_0 : i32, i32, i32
  }
  func.func @transform_4(%arg0: i32) -> (i32, i32, i32) {
    %c0_i32 = arith.constant 0 : i32
    %c0_i32_0 = arith.constant 0 : i32
    %c0_i32_1 = arith.constant 0 : i32
    return %arg0, %c0_i32, %c0_i32_0 : i32, i32, i32
  }
}

</mosaic_0001>

<sc_bundles>
// kernel: kernel.4.cloned.1.call-start
scs
__scs_entry_jumppad:
0x0: {  	(pc) =	sbr.rel $0x88, $3  }
0x1: {  	(tag) =	ssettag $0x0;
	lr =	simm.s32 $0x1  }
0x2: {  	[smem:$0x3F99] =	sst lr;
	_ =	strace $0xD0000000  }
0x3: {  	_ = 	snop  }
0x4: {  	_ = 	snop  }
0x5: {  	_ = 	snop  }
0x6: {  	_ = 	snop  }
0x7: {  	_ = 	snop  }
__scs_overlays_trampoline_lowered:
0x8: {  	[smem:$0x3FA8] =	sst s0  }
0x9: {  	[smem:$0x3FA9] =	sst s1  }
0xa: {  	[smem:$0x3FAA] =	sst s2  }
0xb: {  	[smem:$0x3FAB] =	sst s3  }
0xc: {  	[smem:$0x3FAC] =	sst s4  }
0xd: {  	[smem:$0x3FAD] =	sst s5  }
0xe: {  	[smem:$0x3FAE] =	sst s6  }
0xf: {  	[smem:$0x3FAF] =	sst s7  }
0x10: {  	[smem:$0x3FB0] =	sst s8  }
0x11: {  	[smem:$0x3FB1] =	sst s9;
	s0 =	simm.s32 @!p0 $0x0  }
0x12: {  	s1 =	sld [smem:$0x3F97];
	s0 =	simm.s32 @p0 $0x1  }
0x13: {  	[smem:$0x3FB2] =	sst s0;
	s0 =	simm.s32 @!p1 $0x0  }
0x14: {  	s2 =	sld [smem:$0x3F96];
	s0 =	simm.s32 @p1 $0x1  }
0x15: {  	[smem:$0x3FB3] =	sst s0;
	s0 =	simm.s32 @!p2 $0x0  }
0x16: {  	s3 =	sld [smem:$0x3FDB];
	s0 =	simm.s32 @p2 $0x1  }
0x17: {  	s4 =	simm.s32 $0x1BF5;
	[smem:$0x3FB5] =	sst s0  }
0x18: {  	s0 =	sld [smem:$0x3F98];
	_ =	swait.ge [sflag:s4], $0x0  }
0x19: {  	s7 =	sld [smem:$0x3F99]  }
0x1a: {  	s8 =	sadd.s32 $0xFFFFE003, lr  }
0x1b: {  	s9 =	sadd.s32 $0xFFFFFEF7, lr;
	s5 =	simm.s32 $0xFFFFFFFF;
	p2 =	slt.u32 s8, $0xFFFFF086  }
0x1c: {  	p1 =	slt.u32 s9, $0xF7A;
	s5 =	simm.s32 @!p2 $0x0  }
0x1d: {  	s5 =	simm.s32 @p1 $0x1;
	p0 =	seq.s32 s7, s2  }
0x1e: {  	s7 =	smul.u32 @!p0 $0xF7A, s2;
	p2 =	seq.s32 @!p0 s5, $0x0  }
0x1f: {  	s9 =	smul.u32 $0xF7A, s1;
	s8 =	simm.s32 @!p0 $0x1BF5;
	p2 =	por !p2, p0  }
0x20: {  	[sflag:s8] =	ssyncset.s32 @!p0 $0xFFFFF086;
	s6 =	sadd.s32 @!p0 s3, s7;
	s7 =	simm.s32 @!p0 $0x108  }
0x21: {  	s3 =	sadd.s32 s3, s9;
	s6 =	sadd.s32 @!p0 $0x88, s6;
	s7 =	simm.s32 @p2 $0x1082  }
0x22: {  	[simem:s7], [sflag:s8] =	dma.local @!p0 [hbm:s6], $0xF7A  }
0x23: {  	s9 =	sor.u32 $0xD0000000, s2;
	s6 =	simm.s32 $0x108;
	_ =	swait.ge @!p0 [sflag:s8], $0x0  }
0x24: {  	s3 =	sadd.s32 $0x88, s3;
	s6 =	simm.s32 @!p1 $0x1082;
	[sflag:s4] =	ssyncset.s32 $0xFFFFF086  }
0x25: {  	[simem:s6], [sflag:s4] =	dma.local [hbm:s3], $0xF7A  }
0x26: {  	[smem:$0x3F99] =	sst s1;
	(tag) =	ssettag s2;
	_ =	strace s9  }
0x27: {  	s1 =	sld [smem:$0x3FA9]  }
0x28: {  	s2 =	sld [smem:$0x3FAA]  }
0x29: {  	s4 =	sld [smem:$0x3FAC]  }
0x2a: {  	p0 =	seq.s32 s5, $0x0;
	s5 =	sld [smem:$0x3FAD]  }
0x2b: {  	s6 =	sld [smem:$0x3FAE]  }
0x2c: {  	s7 =	sld [smem:$0x3FAF]  }
0x2d: {  	s3 =	simm.s32 $0x108;
	s8 =	sld [smem:$0x3FB0]  }
0x2e: {  	s3 =	simm.s32 @!p0 $0x1082;
	s9 =	sld [smem:$0x3FB1]  }
0x2f: {  	lr =	sadd.s32 s0, s3;
	s0 =	sld [smem:$0x3FA8]  }
0x30: {  	s3 =	sld [smem:$0x3FAB]  }
0x31: {  	[smem:$0x3FB4] =	sst s10  }
0x32: {  	s10 =	sld [smem:$0x3FB2];
	_ =	sdelay $0x3  }
0x33: {  	p0 =	seq.s32 s10, $0x1;
	s10 =	sld [smem:$0x3FB4];
	_ =	sdelay $0x3  }
0x34: {  	[smem:$0x3FB4] =	sst s10  }
0x35: {  	s10 =	sld [smem:$0x3FB3];
	_ =	sdelay $0x3  }
0x36: {  	p1 =	seq.s32 s10, $0x1;
	s10 =	sld [smem:$0x3FB4];
	_ =	sdelay $0x3  }
0x37: {  	[smem:$0x3FB4] =	sst s10  }
0x38: {  	s10 =	sld [smem:$0x3FB5]  }
0x39: {  	_ = 	snop;
	(pc) =	sbr.ind lr, $3  }
0x3a: {  	_ = 	snop  }
0x3b: {  	_ = 	snop  }
0x3c: {  	p2 =	seq.s32 s10, $0x1;
	s10 =	sld [smem:$0x3FB4]  }
0x3d: {  	_ =	shalt  }
0x3e: {  	_ =	shalt  }
0x3f: {  	_ =	shalt  }
0x40: {  	_ =	shalt  }
0x41: {  	_ =	shalt  }
0x42: {  	_ =	shalt  }
0x43: {  	_ =	shalt  }
0x44: {  	_ =	shalt  }
0x45: {  	_ =	shalt  }
0x46: {  	_ =	shalt  }
0x47: {  	_ =	shalt  }
0x48: {  	_ =	shalt  }
0x49: {  	_ =	shalt  }
0x4a: {  	_ =	shalt  }
0x4b: {  	_ =	shalt  }
0x4c: {  	_ =	shalt  }
0x4d: {  	_ =	shalt  }
0x4e: {  	_ =	shalt  }
0x4f: {  	_ =	shalt  }
0x50: {  	_ =	shalt  }
0x51: {  	_ =	shalt  }
0x52: {  	_ =	shalt  }
0x53: {  	_ =	shalt  }
0x54: {  	_ =	shalt  }
0x55: {  	_ =	shalt  }
0x56: {  	_ =	shalt  }
0x57: {  	_ =	shalt  }
0x58: {  	_ =	shalt  }
0x59: {  	_ =	shalt  }
0x5a: {  	_ =	shalt  }
0x5b: {  	_ =	shalt  }
0x5c: {  	_ =	shalt  }
0x5d: {  	_ =	shalt  }
0x5e: {  	_ =	shalt  }
0x5f: {  	_ =	shalt  }
0x60: {  	_ =	shalt  }
0x61: {  	_ =	shalt  }
0x62: {  	_ =	shalt  }
0x63: {  	_ =	shalt  }
0x64: {  	_ =	shalt  }
0x65: {  	_ =	shalt  }
0x66: {  	_ =	shalt  }
0x67: {  	_ =	shalt  }
0x68: {  	_ =	shalt  }
0x69: {  	_ =	shalt  }
0x6a: {  	_ =	shalt  }
0x6b: {  	_ =	shalt  }
0x6c: {  	_ =	shalt  }
0x6d: {  	_ =	shalt  }
0x6e: {  	_ =	shalt  }
0x6f: {  	_ =	shalt  }
0x70: {  	_ =	shalt  }
0x71: {  	_ =	shalt  }
0x72: {  	_ =	shalt  }
0x73: {  	_ =	shalt  }
0x74: {  	_ =	shalt  }
0x75: {  	_ =	shalt  }
0x76: {  	_ =	shalt  }
0x77: {  	_ =	shalt  }
0x78: {  	_ =	shalt  }
0x79: {  	_ =	shalt  }
0x7a: {  	_ =	shalt  }
0x7b: {  	_ =	shalt  }
0x7c: {  	_ =	shalt  }
0x7d: {  	_ =	shalt  }
0x7e: {  	_ =	shalt  }
0x7f: {  	_ =	shalt  }
0x80: {  	_ =	shalt  }
0x81: {  	_ =	shalt  }
0x82: {  	_ =	shalt  }
0x83: {  	_ =	shalt  }
0x84: {  	_ =	shalt  }
0x85: {  	_ =	shalt  }
0x86: {  	_ =	shalt  }
0x87: {  	_ =	shalt  }
.Lfunc_end0:
.L_simem_size_0:
called_computation_lowered:
.L_overlay_start_0:
0x88: {  	s2 =	sld [smem:$0x3FD9]  }
0x89: {  	s3 =	sld [smem:$0x3FFE];
	_ =	sdelay $0x1  }
0x8a: {  	s1 =	srdreg.scid  }
0x8b: {  	s0 =	sand.u32 $0x1, s1  }
0x8c: {  	s16 =	sshll.u32 s0, $0xA;
	s2 =	sadd.s32 s3, s2  }
0x8d: {  	s2 =	sadd.s32 s2, s16  }
0x8e: {  	[smem:$0x3FC0] =	sst s2  }
0x8f: {  	_ = 	snop  }
0x90: {  	(tm) =	ssettm $0x1  }
0x91: {  	s17 =	sld [smem:$0x3FFB];
	_ =	sdelay $0x3  }
0x92: {  	_ =	strace s17  }
0x93: {  	s2 =	sld [smem:$0x3FFC];
	_ =	sdelay $0x3  }
0x94: {  	_ =	strace s2  }
0x95: {  	s2 =	sld [smem:$0x3FFD];
	_ =	sdelay $0x3  }
0x96: {  	_ =	strace s2  }
0x97: {  	_ =	strace $0x8FFFFFFF  }
0x98: {  	s18 =	sld [smem:$0x3FDB];
	_ =	sdelay $0x1  }
0x99: {  	s19 =	simm.s32 $_scs_section_size  }
0x9a: {  	s4 =	simm.s32 $_size__tile_overlayer_lowered;
	s5 =	simm.s32 $_tile_overlayer_lowered  }
0x9b: {  	s22 =	simm.s32 $0x1BFF;
	s21 =	sshll.u32 s5, $0x1;
	s2 =	sadd.s32 s19, s18  }
0x9c: {  	s6 =	simm.s32 $0x0;
	s20 =	sshll.u32 s4, $0x1;
	s4 =	sadd.s32 s21, s2  }
0x9d: {  	[timem:s6], [sflag:s22] =	dma.local [hbm:s4], s20  }
0x9e: {  	_ =	swait.ge [sflag:s22], s20  }
0x9f: {  	s3 =	ssub.s32 $0x0, s20;
	[sflag:s22] =	ssyncset.done $0x0  }
0xa0: {  	[sflag:s22] =	ssyncadd.s32 s3;
	_ =	sdelay $0x1  }
0xa1: {  	s23 =	simm.s32 $0x1B8B  }
0xa2: {  	_ =	swait.ge [sflag:s23], $0x1  }
0xa3: {  	[sflag:s23] =	ssyncset.done $0x0  }
0xa4: {  	s25 =	simm.s32 $0x1B8E;
	s24 =	sld [smem:$0x3FFE];
	[sflag:s23] =	ssyncadd.s32 $0xFFFFFFFF  }
0xa5: {  	s26 =	simm.s32 $execute0_lowered;
	[smem:$0x3FD2] =	sst s25  }
0xa6: {  	s4 =	sshll.u32 s26, $0x1;
	_ =	strace $0x80000046;
	[dreg:$0x1] =	wrdreg $0xFFFFFFFF  }
0xa7: {  	s28 =	simm.s32 $_size_execute0_lowered;
	s2 =	sadd.s32 s2, s4;
	[dreg:$0x0] =	wrdreg $0x0  }
0xa8: {  	s4 =	sshll.u32 s28, $0x1;
	[dreg:$0x2] =	wrdreg s2  }
0xa9: {  	[dreg:$0x3] =	wrdreg s4  }
0xaa: {  	[dreg:$0x4] =	wrdreg $0xC0  }
0xab: {  	_ =	task [dreg:s6], $0x5FFFF  }
0xac: {  	[dreg:$0x1] =	wrdreg $0xFFFFFFFF  }
0xad: {  	[dreg:$0x0] =	wrdreg $0x60  }
0xae: {  	[dreg:$0x2] =	wrdreg s24  }
0xaf: {  	[dreg:$0x3] =	wrdreg $0x9  }
0xb0: {  	_ =	task.clear_ibuf [dreg:s6], $0x4FFFF;
	_ =	strace $0x90000046  }
0xb1: {  	s29 =	simm.s32 $0x9;
	_ =	strace $0x80000048  }
0xb2: {  	_ =	swait.ge [sflag:s29], $0x1  }
0xb3: {  	[sflag:s29] =	ssyncadd.s32 $0xFFFFFFFF  }
0xb4: {  	_ =	strace $0x90000048  }
0xb5: {  	_ =	sfence  }
0xb6: {  	s30 =	sld [smem:$0x0];
	_ =	sdelay $0x2  }
0xb7: {  	s31 =	sshll.u32 s1, $0xD;
	s1 =	sshrl.u32 s1, $0x2  }
0xb8: {  	s3 =	sand.u32 $0x4000, s31;
	s1 =	sadd.s32 s1, s30  }
0xb9: {  	s0 =	sor.u32 s3, s0;
	s1 =	sshll.u32 s1, $0x11  }
0xba: {  	s0 =	sor.u32 s1, s0  }
0xbb: {  	s0 =	sadd.s32 $0x8F2B, s0  }
0xbc: {  	[sflag:s0] =	ssyncadd.remote.s32 $0x1  }
0xbd: {  	_ =	sfence.sel $0xFFFF  }
0xbe: {  	[dreg:$0x0] =	wrdreg $0xFFFFFFFF;
	(pc) =	sbr.abs _section_cstart, $3  }
0xbf: {  	[dreg:$0x1] =	wrdreg $0xFFFFFFFF  }
0xc0: {  	_ =	task.clear_ibuf [dreg:s6], $0x2FFFF;
	_ =	strace $0x9FFFFFFF  }
0xc1: {  	(tm) =	ssettm $0x7FFFFFFF  }
tec
execute0_lowered:
.L_overlay_start_1:
0x0: {  	(tag) =	ssettag $0x1  }
0x1: {  	s2 =	rddreg [dreg:$0x0]  }
0x2: {  	s0 =	rddreg [dreg:$0x1]  }
0x3: {  	s3 =	simm.s32 $0x0;
	s4 =	srdreg.scid;
	s1 =	stileid.u32  }
0x4: {  	s10 =	simm.s32 $0x1;
	s11 =	simm.s32 $0x200;
	s12 =	simm.s32 $0x400  }
0x5: {  	s13 =	simm.s32 $0x600;
	s14 =	simm.s32 $0x800;
	s15 =	simm.s32 $0x880  }
0x6: {  	[smem:$0x7FF] =	sst s3;
	s4 =	sand.u32 $0x1, s4;
	s5 =	sshll.u32 s1, $0x1  }
0x7: {  	_ =	strace $0x80000047;
	s5 =	sor.u32 s4, s5;
	s4 =	ssub.s32 $0x2, s4  }
0x8: {  	s6 =	sshll.u32 s5, $0x6;
	s5 =	sshll.u32 s5, $0x4;
	s7 =	sshrl.u32 s4, $0x1  }
0x9: {  	s6 =	sadd.s32 s6, s2;
	s8 =	sadd.s32 s5, s2;
	s9 =	ssub.s32 s4, s7  }
0xa: {  	s4 =	sadd.s32 $0x1200, s6;
	s5 =	sadd.s32 $0x1A00, s6;
	s6 =	sadd.s32 $0xA00, s6  }
0xb: {  	s7 =	sadd.s32 $0x400, s8;
	s8 =	sadd.s32 $0x200, s8;
	s9 =	smax.u32 s9, $0x1  }
.LBB2_1:
0xc: {  	[tilespmem:s3], [sflag:$0x1] =	stream.linear.gather [hbm4b:s4+s3], $0x200, $0x38;
	[tilespmem:$0x900] =	vst v63  }
0xd: {  	_ =	swait.ge [sflag:s10], $0x200  }
0xe: {  	[sflag:s10] =	ssyncset.done $0x0  }
0xf: {  	[sflag:s10] =	ssyncadd.s32 $0xFFFFFE00  }
0x10: {  	[tilespmem:s11], [sflag:$0x1] =	stream.linear.gather [hbm4b:s5+s3], $0x200, $0x38;
	[tilespmem:$0x900] =	vst v63  }
0x11: {  	_ =	swait.ge [sflag:s10], $0x200  }
0x12: {  	[sflag:s10] =	ssyncset.done $0x0  }
0x13: {  	[sflag:s10] =	ssyncadd.s32 $0xFFFFFE00  }
0x14: {  	[tilespmem:s12], [sflag:$0x1] =	stream.linear.gather [hbm4b:s6+s3], $0x200, $0x38;
	[tilespmem:$0x900] =	vst v63  }
0x15: {  	_ =	swait.ge [sflag:s10], $0x200  }
0x16: {  	[sflag:s10] =	ssyncset.done $0x0  }
0x17: {  	[sflag:s10] =	ssyncadd.s32 $0xFFFFFE00  }
0x18: {  	[tilespmem:s13], [sflag:$0x1] =	stream.linear.gather [hbm4b:s2+s3], $0x200, $0x38;
	[tilespmem:$0x900] =	vst v63  }
0x19: {  	_ =	swait.ge [sflag:s10], $0x200  }
0x1a: {  	[sflag:s10] =	ssyncset.done $0x0  }
0x1b: {  	[sflag:s10] =	ssyncadd.s32 $0xFFFFFE00  }
0x1c: {  	v1 =	vld [tilespmem:$0x600]  }
0x1d: {  	v4 =	vld [tilespmem:$0x400]  }
0x1e: {  	v2 =	vld [tilespmem:$0x200]  }
0x1f: {  	v5 =	vld [tilespmem:$0x410]  }
0x20: {  	v3 =	vld [tilespmem:$0x210]  }
0x21: {  	v0 =	vld [tilespmem:$0x680]  }
0x22: {  	v8 =	vld [tilespmem:$0x0]  }
0x23: {  	v17 =	vld [tilespmem:$0x420]  }
0x24: {  	v18 =	vld [tilespmem:$0x10]  }
0x25: {  	v19 =	vld [tilespmem:$0x430]  }
0x26: {  	v21 =	vld [tilespmem:$0x20]  }
0x27: {  	v23 =	vld [tilespmem:$0x440]  }
0x28: {  	v25 =	vld [tilespmem:$0x30]  }
0x29: {  	v28 =	vld [tilespmem:$0x450]  }
0x2a: {  	v30 =	vld [tilespmem:$0x40]  }
0x2b: {  	v33 =	vld [tilespmem:$0x460];
	v6 =	vsub.f32 v4, v1  }
0x2c: {  	v35 =	vld [tilespmem:$0x50];
	v7 =	vsub.f32 $1.000000000e+00, v2;
	v4 =	vand.u32 $0x7FFFFFFF, v4;
	v10 =	vsub.f32 v5, v1  }
0x2d: {  	v38 =	vld [tilespmem:$0x470];
	v11 =	vsub.f32 $1.000000000e+00, v3;
	v5 =	vand.u32 $0x7FFFFFFF, v5;
	vm0 =	vlt.f32 v8, v0  }
0x2e: {  	v40 =	vld [tilespmem:$0x60];
	v20 =	vsub.f32 v17, v1;
	vm9 =	vlt.f32 v18, v0;
	v24 =	vsub.f32 v19, v1  }
0x2f: {  	v43 =	vld [tilespmem:$0x480];
	vm10 =	vlt.f32 v21, v0;
	v26 =	vand.u32 $0x7FFFFFFF, v19;
	v29 =	vsub.f32 v23, v1  }
0x30: {  	v45 =	vld [tilespmem:$0x70];
	vm11 =	vlt.f32 v25, v0;
	v31 =	vand.u32 $0x7FFFFFFF, v23;
	v34 =	vsub.f32 v28, v1  }
0x31: {  	vm12 =	vlt.f32 v30, v0;
	v36 =	vand.u32 $0x7FFFFFFF, v28;
	v9 =	vmul.f32 v4, v2;
	v4 =	vld [tilespmem:$0x220]  }
0x32: {  	v39 =	vsub.f32 v33, v1;
	vm13 =	vlt.f32 v35, v0;
	v6 =	vand.u32 $0x7FFFFFFF, v6  }
0x33: {  	v48 =	vld [tilespmem:$0x490];
	v41 =	vand.u32 $0x7FFFFFFF, v33;
	v44 =	vsub.f32 v38, v1;
	v6 =	vmul.f32 v6, v7  }
0x34: {  	v50 =	vld [tilespmem:$0x80];
	vm14 =	vlt.f32 v40, v0;
	v46 =	vand.u32 $0x7FFFFFFF, v38;
	v49 =	vsub.f32 v43, v1  }
0x35: {  	v53 =	vld [tilespmem:$0x4A0];
	vm15 =	vlt.f32 v45, v0;
	v10 =	vand.u32 $0x7FFFFFFF, v10;
	v6 =	vadd.f32 v6, v9  }
0x36: {  	v55 =	vld [tilespmem:$0x90];
	v5 =	vmul.f32 v5, v3;
	v10 =	vmul.f32 v10, v11;
	v13 =	vsub.f32 $1.000000000e+00, v4  }
0x37: {  	v8 =	vand.u32 $0x7FFFFFFF, v20;
	v7 =	vand.u32 $0x7FFFFFFF, v17;
	v12 =	vadd.f32 $0.0e+00, v6;
	v6 =	vld [tilespmem:$0x230]  }
0x38: {  	v5 =	vadd.f32 v10, v5;
	v7 =	vmul.f32 v7, v4;
	v22 =	vmul.f32 v8, v13  }
0x39: {  	v60 =	vld [tilespmem:$0xA0];
	v51 =	vand.u32 $0x7FFFFFFF, v43;
	v54 =	vsub.f32 v48, v1;
	vm4 =	vlt.f32 v50, v0  }
0x3a: {  	v63 =	vld [tilespmem:$0xB0];
	v5 =	vnsel vm9, $0x0, v5;
	v12 =	vnsel vm0, $0x0, v12;
	v7 =	vadd.f32 v22, v7  }
0x3b: {  	v56 =	vand.u32 $0x7FFFFFFF, v48;
	v59 =	vsub.f32 v53, v1;
	v8 =	vld [tilespmem:$0x240];
	v5 =	vadd.f32 v5, v12  }
0x3c: {  	vm5 =	vlt.f32 v55, v0;
	v14 =	vsub.f32 $1.000000000e+00, v6;
	v7 =	vnsel vm10, $0x0, v7  }
0x3d: {  	v61 =	vand.u32 $0x7FFFFFFF, v53;
	v27 =	vand.u32 $0x7FFFFFFF, v24;
	v7 =	vadd.f32 v7, v5;
	v5 =	vld [tilespmem:$0x250]  }
0x3e: {  	v58 =	vld [tilespmem:$0x4B0];
	vm6 =	vlt.f32 v60, v0;
	v10 =	vmul.f32 v26, v6;
	v11 =	vmul.f32 v27, v14  }
0x3f: {  	vm7 =	vlt.f32 v63, v0;
	v35 =	vld [tilespmem:$0xD0];
	v2 =	vmax.f32 v2, $0.0e+00;
	v32 =	vand.u32 $0x7FFFFFFF, v29  }
0x40: {  	v40 =	vld [tilespmem:$0x500];
	v37 =	vand.u32 $0x7FFFFFFF, v34;
	v15 =	vsub.f32 $1.000000000e+00, v8;
	v10 =	vadd.f32 v11, v10  }
0x41: {  	v48 =	vld [tilespmem:$0x510];
	v42 =	vand.u32 $0x7FFFFFFF, v39;
	v47 =	vand.u32 $0x7FFFFFFF, v44;
	v9 =	vmul.f32 v31, v8  }
0x42: {  	v53 =	vld [tilespmem:$0x530];
	v13 =	vmul.f32 v32, v15;
	v10 =	vnsel vm11, $0x0, v10;
	v16 =	vsub.f32 $1.000000000e+00, v5  }
0x43: {  	v52 =	vand.u32 $0x7FFFFFFF, v49;
	v57 =	vand.u32 $0x7FFFFFFF, v54;
	v10 =	vadd.f32 v10, v7;
	v7 =	vld [tilespmem:$0x260]  }
0x44: {  	v24 =	vld [tilespmem:$0x4D0];
	v9 =	vadd.f32 v13, v9;
	v11 =	vmul.f32 v36, v5;
	v12 =	vmul.f32 v37, v16  }
0x45: {  	v62 =	vand.u32 $0x7FFFFFFF, v59;
	v3 =	vmax.f32 v2, v3;
	v2 =	vld [tilespmem:$0x320];
	v44 =	vsub.f32 v40, v1  }
0x46: {  	v3 =	vmax.f32 v3, v4;
	v4 =	vld [tilespmem:$0x330];
	v9 =	vnsel vm12, $0x0, v9;
	v11 =	vadd.f32 v12, v11  }
0x47: {  	v29 =	vand.u32 $0x7FFFFFFF, v58;
	v54 =	vsub.f32 v48, v1;
	v10 =	vadd.f32 v9, v10;
	v9 =	vld [tilespmem:$0x270]  }
0x48: {  	v60 =	vsub.f32 v53, v1;
	v17 =	vsub.f32 $1.000000000e+00, v7;
	v11 =	vnsel vm13, $0x0, v11  }
0x49: {  	v55 =	vand.u32 $0x7FFFFFFF, v48;
	v34 =	vsub.f32 v24, v1;
	v10 =	vadd.f32 v11, v10;
	v11 =	vld [tilespmem:$0x280]  }
0x4a: {  	v38 =	vld [tilespmem:$0x4F0];
	v22 =	vsub.f32 v58, v1;
	v13 =	vmul.f32 v41, v7;
	v14 =	vmul.f32 v42, v17  }
0x4b: {  	v28 =	vld [tilespmem:$0x4C0];
	v24 =	vand.u32 $0x7FFFFFFF, v24;
	v58 =	vsub.f32 $1.000000000e+00, v2;
	v63 =	vsub.f32 $1.000000000e+00, v4  }
0x4c: {  	v39 =	vld [tilespmem:$0xE0];
	vm9 =	vlt.f32 v35, v0;
	v18 =	vsub.f32 $1.000000000e+00, v9;
	v13 =	vadd.f32 v14, v13  }
0x4d: {  	v43 =	vld [tilespmem:$0xF0];
	v30 =	vand.u32 $0x7FFFFFFF, v22;
	v22 =	vand.u32 $0x7FFFFFFF, v34;
	v12 =	vmul.f32 v46, v9  }
0x4e: {  	v59 =	vld [tilespmem:$0x120];
	v15 =	vmul.f32 v47, v18;
	v13 =	vnsel vm14, $0x0, v13;
	v19 =	vsub.f32 $1.000000000e+00, v11  }
0x4f: {  	v26 =	vsub.f32 v38, v1;
	v3 =	vmax.f32 v3, v6;
	v10 =	vadd.f32 v13, v10;
	v13 =	vld [tilespmem:$0x290]  }
0x50: {  	v32 =	vld [tilespmem:$0xC0];
	v12 =	vadd.f32 v15, v12;
	v14 =	vmul.f32 v51, v11;
	v16 =	vmul.f32 v52, v19  }
0x51: {  	vm10 =	vlt.f32 v39, v0;
	v31 =	vsub.f32 v28, v1;
	v8 =	vmax.f32 v3, v8;
	v37 =	vld [tilespmem:$0x4E0]  }
0x52: {  	v3 =	vand.u32 $0x7FFFFFFF, v54;
	v46 =	vld [tilespmem:$0x100];
	v12 =	vnsel vm15, $0x0, v12;
	v14 =	vadd.f32 v16, v14  }
0x53: {  	v26 =	vand.u32 $0x7FFFFFFF, v26;
	vm11 =	vlt.f32 v43, v0;
	v12 =	vadd.f32 v12, v10;
	v10 =	vld [tilespmem:$0x2A0]  }
0x54: {  	v5 =	vmax.f32 v8, v5;
	v51 =	vld [tilespmem:$0x110];
	v20 =	vsub.f32 $1.000000000e+00, v13;
	v14 =	vnsel vm4, $0x0, v14  }
0x55: {  	vm8 =	vlt.f32 v32, v0;
	v7 =	vmax.f32 v5, v7;
	v14 =	vadd.f32 v14, v12;
	v12 =	vld [tilespmem:$0x2B0]  }
0x56: {  	v49 =	vld [tilespmem:$0x520];
	v7 =	vmax.f32 v7, v9;
	v15 =	vmul.f32 v56, v13;
	v17 =	vmul.f32 v57, v20  }
0x57: {  	v41 =	vsub.f32 v37, v1;
	vm14 =	vlt.f32 v59, v0;
	v7 =	vmax.f32 v7, v11  }
0x58: {  	vm12 =	vlt.f32 v46, v0;
	v21 =	vsub.f32 $1.000000000e+00, v10;
	v15 =	vadd.f32 v17, v15  }
0x59: {  	vm13 =	vlt.f32 v51, v0;
	v7 =	vmax.f32 v7, v13;
	v16 =	vmul.f32 v61, v10  }
0x5a: {  	v18 =	vmul.f32 v62, v21;
	v62 =	vld [tilespmem:$0x130];
	v15 =	vnsel vm5, $0x0, v15;
	v23 =	vsub.f32 $1.000000000e+00, v12  }
0x5b: {  	v57 =	vsub.f32 v49, v1;
	v7 =	vmax.f32 v7, v10;
	v15 =	vadd.f32 v15, v14;
	v14 =	vld [tilespmem:$0x2C0]  }
0x5c: {  	v18 =	vadd.f32 v18, v16;
	v16 =	vld [tilespmem:$0x2D0];
	v17 =	vmul.f32 v29, v12;
	v19 =	vmul.f32 v30, v23  }
0x5d: {  	v21 =	vand.u32 $0x7FFFFFFF, v28;
	v28 =	vand.u32 $0x7FFFFFFF, v60;
	v29 =	vld [tilespmem:$0x540];
	v7 =	vmax.f32 v7, v12  }
0x5e: {  	v18 =	vnsel vm6, $0x0, v18;
	v23 =	vand.u32 $0x7FFFFFFF, v41;
	v30 =	vld [tilespmem:$0x550];
	v17 =	vadd.f32 v19, v17  }
0x5f: {  	v41 =	vld [tilespmem:$0x150];
	v15 =	vadd.f32 v18, v15;
	v18 =	vand.u32 $0x7FFFFFFF, v31;
	vm15 =	vlt.f32 v62, v0  }
0x60: {  	v5 =	vld [tilespmem:$0x350];
	v19 =	vand.u32 $0x7FFFFFFF, v38;
	v33 =	vsub.f32 $1.000000000e+00, v14;
	v17 =	vnsel vm7, $0x0, v17  }
0x61: {  	v25 =	vsub.f32 $1.000000000e+00, v16;
	v36 =	vmul.f32 v24, v16;
	v17 =	vadd.f32 v17, v15;
	v15 =	vld [tilespmem:$0x2F0]  }
0x62: {  	v24 =	vand.u32 $0x7FFFFFFF, v37;
	v37 =	vand.u32 $0x7FFFFFFF, v29;
	v20 =	vmul.f32 v18, v33;
	v18 =	vld [tilespmem:$0x2E0]  }
0x63: {  	v21 =	vmul.f32 v21, v14;
	v7 =	vmax.f32 v7, v14;
	v22 =	vmul.f32 v22, v25;
	v33 =	vld [tilespmem:$0x140]  }
0x64: {  	v39 =	vsub.f32 v30, v1;
	v8 =	vand.u32 $0x7FFFFFFF, v30;
	vm5 =	vlt.f32 v41, v0  }
0x65: {  	v35 =	vld [tilespmem:$0x560];
	v7 =	vmax.f32 v7, v16;
	v20 =	vadd.f32 v20, v21;
	v21 =	vadd.f32 v22, v36  }
0x66: {  	v13 =	vld [tilespmem:$0x360];
	v22 =	vand.u32 $0x7FFFFFFF, v40;
	v36 =	vsub.f32 v29, v1;
	v27 =	vsub.f32 $1.000000000e+00, v15  }
0x67: {  	v60 =	vld [tilespmem:$0x190];
	v40 =	vsub.f32 $1.000000000e+00, v5;
	v20 =	vnsel vm8, $0x0, v20;
	v19 =	vmul.f32 v19, v15  }
0x68: {  	v42 =	vsub.f32 $1.000000000e+00, v18;
	vm4 =	vlt.f32 v33, v0;
	v33 =	vld [tilespmem:$0x3C0];
	v26 =	vmul.f32 v26, v27  }
0x69: {  	v21 =	vnsel vm9, $0x0, v21;
	v17 =	vadd.f32 v20, v17;
	v27 =	vand.u32 $0x7FFFFFFF, v44;
	v44 =	vld [tilespmem:$0x160]  }
0x6a: {  	v24 =	vmul.f32 v24, v18;
	v23 =	vmul.f32 v23, v42;
	v26 =	vadd.f32 v26, v19;
	v19 =	vld [tilespmem:$0x310]  }
0x6b: {  	v8 =	vmul.f32 v8, v5;
	v21 =	vadd.f32 v21, v17;
	v17 =	vld [tilespmem:$0x300];
	v42 =	vsub.f32 v35, v1  }
0x6c: {  	v11 =	vand.u32 $0x7FFFFFFF, v36;
	v7 =	vmax.f32 v7, v18;
	v45 =	vadd.f32 v23, v24  }
0x6d: {  	vm9 =	vlt.f32 v60, v0;
	v7 =	vmax.f32 v7, v15;
	v46 =	vand.u32 $0x7FFFFFFF, v42  }
0x6e: {  	v25 =	vnsel vm11, $0x0, v26;
	v41 =	vsub.f32 $1.000000000e+00, v33;
	v20 =	vnsel vm10, $0x0, v45  }
0x6f: {  	v48 =	vld [tilespmem:$0x580];
	v45 =	vsub.f32 $1.000000000e+00, v13;
	vm6 =	vlt.f32 v44, v0;
	v56 =	vsub.f32 $1.000000000e+00, v19  }
0x70: {  	v12 =	vld [tilespmem:$0x380];
	v47 =	vsub.f32 $1.000000000e+00, v17;
	v22 =	vmul.f32 v22, v17;
	v20 =	vadd.f32 v20, v21  }
0x71: {  	v51 =	vld [tilespmem:$0x590];
	v21 =	vand.u32 $0x7FFFFFFF, v49;
	v23 =	vmul.f32 v55, v19;
	v3 =	vmul.f32 v3, v56  }
0x72: {  	v7 =	vmax.f32 v7, v17;
	v21 =	vmul.f32 v21, v2;
	v24 =	vmul.f32 v27, v47  }
0x73: {  	v50 =	vadd.f32 v25, v20;
	v25 =	vand.u32 $0x7FFFFFFF, v57;
	v61 =	vadd.f32 v3, v23;
	v3 =	vld [tilespmem:$0x340]  }
0x74: {  	v7 =	vmax.f32 v7, v19;
	v25 =	vmul.f32 v25, v58;
	v22 =	vadd.f32 v24, v22  }
0x75: {  	v55 =	vsub.f32 v48, v1;
	v2 =	vmax.f32 v7, v2;
	v56 =	vsub.f32 $1.000000000e+00, v12  }
0x76: {  	v58 =	vsub.f32 v51, v1;
	v21 =	vadd.f32 v25, v21;
	v52 =	vnsel vm12, $0x0, v22  }
0x77: {  	v26 =	vld [tilespmem:$0x5B0];
	v25 =	vmul.f32 v28, v63;
	v22 =	vand.u32 $0x7FFFFFFF, v53;
	v6 =	vadd.f32 v52, v50  }
0x78: {  	v20 =	vnsel vm13, $0x0, v61;
	v22 =	vmul.f32 v22, v4;
	v38 =	vsub.f32 $1.000000000e+00, v3  }
0x79: {  	v23 =	vand.u32 $0x7FFFFFFF, v39;
	v31 =	vnsel vm14, $0x0, v21;
	v6 =	vadd.f32 v20, v6  }
0x7a: {  	v14 =	vld [tilespmem:$0x390];
	v32 =	vadd.f32 v25, v22;
	v21 =	vmul.f32 v37, v3;
	v11 =	vmul.f32 v11, v38  }
0x7b: {  	v30 =	vld [tilespmem:$0x5C0];
	v2 =	vmax.f32 v2, v4;
	v23 =	vmul.f32 v23, v40;
	v6 =	vadd.f32 v31, v6  }
0x7c: {  	v47 =	vld [tilespmem:$0x570];
	v36 =	vsub.f32 v26, v1;
	v34 =	vnsel vm15, $0x0, v32;
	v43 =	vadd.f32 v11, v21  }
0x7d: {  	v24 =	vld [tilespmem:$0x370];
	v8 =	vadd.f32 v23, v8;
	v20 =	vand.u32 $0x7FFFFFFF, v35;
	v6 =	vadd.f32 v34, v6  }
0x7e: {  	v57 =	vld [tilespmem:$0x180];
	v20 =	vmul.f32 v20, v13;
	v21 =	vmul.f32 v46, v45;
	v9 =	vnsel vm4, $0x0, v43  }
0x7f: {  	v62 =	vand.u32 $0x7FFFFFFF, v58;
	v17 =	vand.u32 $0x7FFFFFFF, v36;
	v6 =	vadd.f32 v9, v6  }
0x80: {  	v39 =	vsub.f32 v30, v1;
	v8 =	vnsel vm5, $0x0, v8;
	v49 =	vadd.f32 v21, v20  }
0x81: {  	v63 =	vld [tilespmem:$0x3A0];
	v52 =	vsub.f32 v47, v1;
	v53 =	vand.u32 $0x7FFFFFFF, v47;
	v6 =	vadd.f32 v8, v6  }
0x82: {  	v50 =	vld [tilespmem:$0x170];
	v61 =	vsub.f32 $1.000000000e+00, v14;
	v54 =	vsub.f32 $1.000000000e+00, v24;
	v10 =	vnsel vm6, $0x0, v49  }
0x83: {  	v27 =	vld [tilespmem:$0x3B0];
	vm8 =	vlt.f32 v57, v0;
	v6 =	vadd.f32 v10, v6;
	v10 =	vand.u32 $0x7FFFFFFF, v52  }
0x84: {  	v28 =	vld [tilespmem:$0x1A0];
	v42 =	vand.u32 $0x7FFFFFFF, v39;
	v16 =	vmul.f32 v53, v24;
	v10 =	vmul.f32 v10, v54  }
0x85: {  	v11 =	vand.u32 $0x7FFFFFFF, v51;
	v20 =	vand.u32 $0x7FFFFFFF, v55;
	v9 =	vand.u32 $0x7FFFFFFF, v48  }
0x86: {  	v25 =	vld [tilespmem:$0x5A0];
	v20 =	vmul.f32 v20, v56;
	v9 =	vmul.f32 v9, v12;
	v59 =	vadd.f32 v10, v16  }
0x87: {  	v58 =	vld [tilespmem:$0x1E0];
	v35 =	vsub.f32 $1.000000000e+00, v63;
	vm7 =	vlt.f32 v50, v0;
	v11 =	vmul.f32 v11, v14  }
0x88: {  	v9 =	vadd.f32 v20, v9;
	v16 =	vmul.f32 v62, v61;
	v8 =	vnsel vm7, $0x0, v59  }
0x89: {  	v37 =	vsub.f32 $1.000000000e+00, v27;
	vm10 =	vlt.f32 v28, v0;
	v6 =	vadd.f32 v8, v6  }
0x8a: {  	v2 =	vmax.f32 v2, v3;
	v9 =	vnsel vm8, $0x0, v9;
	v11 =	vadd.f32 v16, v11  }
0x8b: {  	v2 =	vmax.f32 v2, v5;
	v32 =	vsub.f32 v25, v1;
	v6 =	vadd.f32 v9, v6  }
0x8c: {  	v40 =	vld [tilespmem:$0x1C0];
	vm14 =	vlt.f32 v58, v0;
	v2 =	vmax.f32 v2, v13;
	v29 =	vnsel vm9, $0x0, v11  }
0x8d: {  	v44 =	vld [tilespmem:$0x5D0];
	v34 =	vand.u32 $0x7FFFFFFF, v25;
	v31 =	vadd.f32 v29, v6;
	v6 =	vand.u32 $0x7FFFFFFF, v32  }
0x8e: {  	v38 =	vld [tilespmem:$0x1B0];
	v2 =	vmax.f32 v2, v24;
	v11 =	vmul.f32 v34, v63;
	v6 =	vmul.f32 v6, v35  }
0x8f: {  	v17 =	vmul.f32 v17, v37;
	v46 =	vld [tilespmem:$0x5E0];
	v2 =	vmax.f32 v2, v12;
	v8 =	vand.u32 $0x7FFFFFFF, v26  }
0x90: {  	v51 =	vld [tilespmem:$0x5F0];
	v10 =	vand.u32 $0x7FFFFFFF, v30;
	v8 =	vmul.f32 v8, v27;
	v6 =	vadd.f32 v6, v11  }
0x91: {  	vm12 =	vlt.f32 v40, v0;
	v2 =	vmax.f32 v2, v14;
	v43 =	vld [tilespmem:$0x3D0];
	v10 =	vmul.f32 v10, v33  }
0x92: {  	v8 =	vadd.f32 v17, v8;
	v11 =	vmul.f32 v42, v41;
	v6 =	vnsel vm10, $0x0, v6  }
0x93: {  	v2 =	vmax.f32 v2, v63;
	vm11 =	vlt.f32 v38, v0;
	v49 =	vld [tilespmem:$0x3E0];
	v45 =	vadd.f32 v6, v31  }
0x94: {  	v53 =	vld [tilespmem:$0x3F0];
	v56 =	vsub.f32 v46, v1;
	v47 =	vnsel vm11, $0x0, v8;
	v48 =	vadd.f32 v11, v10  }
0x95: {  	v4 =	vand.u32 $0x7FFFFFFF, v46;
	v52 =	vsub.f32 v44, v1;
	v3 =	vadd.f32 v47, v45  }
0x96: {  	v50 =	vld [tilespmem:$0x1D0];
	v55 =	vsub.f32 $1.000000000e+00, v43;
	v1 =	vsub.f32 v51, v1;
	v6 =	vnsel vm12, $0x0, v48  }
0x97: {  	v54 =	vand.u32 $0x7FFFFFFF, v44;
	v3 =	vadd.f32 v6, v3;
	v6 =	vand.u32 $0x7FFFFFFF, v52  }
0x98: {  	v60 =	vld [tilespmem:$0x1F0];
	v57 =	vsub.f32 $1.000000000e+00, v49;
	v11 =	vmul.f32 v54, v43;
	v6 =	vmul.f32 v6, v55  }
0x99: {  	v13 =	vand.u32 $0x7FFFFFFF, v56;
	v4 =	vmul.f32 v4, v49;
	v61 =	vsub.f32 $1.000000000e+00, v53  }
0x9a: {  	v1 =	vand.u32 $0x7FFFFFFF, v1;
	v13 =	vmul.f32 v13, v57;
	v59 =	vadd.f32 v6, v11  }
0x9b: {  	vm13 =	vlt.f32 v50, v0;
	v1 =	vmul.f32 v1, v61;
	v9 =	vand.u32 $0x7FFFFFFF, v51  }
0x9c: {  	v4 =	vadd.f32 v13, v4;
	v9 =	vmul.f32 v9, v53;
	v5 =	vnsel vm13, $0x0, v59  }
0x9d: {  	vm15 =	vlt.f32 v60, v0;
	v62 =	vmax.f32 v2, v27;
	v3 =	vadd.f32 v5, v3  }
0x9e: {  	v0 =	vmax.f32 v62, v33;
	v4 =	vnsel vm14, $0x0, v4;
	v1 =	vadd.f32 v1, v9  }
0x9f: {  	v0 =	vmax.f32 v0, v43;
	v63 =	vadd.f32 v4, v3  }
0xa0: {  	v0 =	vmax.f32 v0, v49;
	v1 =	vnsel vm15, $0x0, v1  }
0xa1: {  	v0 =	vmax.f32 v0, v53;
	v1 =	vadd.f32 v1, v63  }
0xa2: {  	[tilespmem:$0x880] =	vst v0  }
0xa3: {  	[tilespmem:$0x800] =	vst v1  }
0xa4: {  	[hbm4b:s7+s3] =	stream.linear.scatter [tilespmem:s14], [sflag:$0x1], $0x80, $0x38;
	[tilespmem:$0x900] =	vst v63  }
0xa5: {  	_ =	swait.ge [sflag:s10], $0x80  }
0xa6: {  	p0 =	sne.s32 s9, $0x1;
	[sflag:s10] =	ssyncset.done $0x0  }
.Ltmp0:
0xa7: {  	[sflag:s10] =	ssyncadd.s32 $0xFFFFFF80;
	(pc) =	sbr.rel @p0 .LBB2_1-.Ltmp0, $4  }
0xa8: {  	[hbm4b:s8+s3] =	stream.linear.scatter [tilespmem:s15], [sflag:$0x1], $0x80, $0x38;
	[tilespmem:$0x900] =	vst v63  }
0xa9: {  	_ =	swait.ge [sflag:s10], $0x80  }
0xaa: {  	[sflag:s10] =	ssyncset.done $0x0  }
0xab: {  	s9 =	sadd.s32 $0xFFFFFFFF, s9;
	[sflag:s10] =	ssyncadd.s32 $0xFFFFFF80  }
0xac: {  	_ =	sfence.sel $0x180000  }
0xad: {  	[bflag:$0x0] =	sbarrier.arrive $0xFFFF  }
0xae: {  	p0 =	sne.s32 s1, $0x0;
	_ =	strace $0x90000047  }
0xaf: {  	s0 =	sadd.s32 @!p0 $0x100000, s0;
	[bflag:$0x2] =	sbarrier.arrive $0xFFFF  }
0xb0: {  	[sflag:s0] =	ssyncadd.tile.s32 @!p0 $0x1;
	_ =	shalt  }
.Lfunc_end2:
_tile_overlayer_lowered:
.L_overlay_start_2:
0xb1: {  	(tag) =	ssettag $0x2  }
0xb2: {  	s0 =	rddreg [dreg:$0x0];
	s2 =	stileid.u32  }
0xb3: {  	s1 =	rddreg [dreg:$0x1];
	p0 =	sne.s32 s2, $0x0  }
0xb4: {  	s3 =	rddreg [dreg:$0x2];
	[bflag:$0x3] =	sbarrier.arrive $0xFFFF;
	s2 =	simm.s32 @!p0 $0x1C01  }
0xb5: {  	[timem:s3], [sflag:s2] =	dma.local @!p0 [hbm:s0], s1  }
0xb6: {  	s0 =	simm.s32 @!p0 $0x1  }
0xb7: {  	_ =	swait.ge @!p0 [sflag:s0], s1  }
0xb8: {  	s1 =	ssub.s32 @!p0 $0x0, s1;
	[sflag:s0] =	ssyncset.done @!p0 $0x0  }
0xb9: {  	[sflag:s0] =	ssyncadd.s32 @!p0 s1  }
0xba: {  	[bflag:$0x3] =	sbarrier.arrive $0xFFFF  }
0xbb: {  	_ =	shalt  }

</sc_bundles>
